<compile_context>
chip_gen: v7x
topology: tpu7x:2x2x1
jax: 0.10.2.dev20260603
libtpu: 0.0.44.dev20260713+nightly
codegen_flags: <defaults>
</compile_context>

<pallas_src>
import functools

import jax
import jax.numpy as jnp
from jax import lax
from jax.experimental import pallas as pl
from jax.experimental.pallas import tpu as pltpu
from jax.experimental.pallas import tpu_sc as plsc

NU = 10000
NM = 10000
E = 320000
H = 128
EPS = 1e-5
SLOPE = 0.1

_NS = 16
_CHUNK = 128
_STEPS = 160
_PER_TILE = _STEPS * _CHUNK
_EPAD = _PER_TILE * _NS
_ACC_ROWS = 10240
_TRASH = 10000
_ZROWS = _ACC_ROWS // _NS
_SROWS = 32


def _zero_shared(stage, acc, sid):
    z = jnp.zeros((16,), jnp.float32)

    def zrow(r, c0):
        for c in range(H // 16):
            stage[r, pl.ds(c * 16, 16)] = z
        return c0

    lax.fori_loop(0, _SROWS, zrow, 0)

    def zcp(j, c0):
        pltpu.sync_copy(stage, acc.at[pl.ds(sid * _ZROWS + j * _SROWS, _SROWS)])
        return c0

    lax.fori_loop(0, _ZROWS // _SROWS, zcp, 0)


def _copy_out(stage, acc, out, sid):

    def ocp(j, c0):
        off = sid * _ZROWS + j * _SROWS
        pltpu.sync_copy(acc.at[pl.ds(off, _SROWS)], stage)
        pltpu.sync_copy(stage, out.at[pl.ds(off, _SROWS)])
        return c0

    lax.fori_loop(0, _ZROWS // _SROWS, ocp, 0)


def _edge_body(hu, hm, src_g, dst_g, src_s, dst_s, sum_m, sum_u,
               ig, isc, rows, stage, acc, g0):
    cid = lax.axis_index("c")
    sid = lax.axis_index("s")
    _zero_shared(stage, acc, sid)
    plsc.subcore_barrier()

    def run(tbl, garr, sarr, out):
        base = sid * _PER_TILE

        def step(i, c0):
            off = base + i * _CHUNK
            pltpu.sync_copy(garr.at[pl.ds(off, _CHUNK)], ig)
            pltpu.sync_copy(sarr.at[pl.ds(off, _CHUNK)], isc)
            pltpu.async_copy(tbl.at[ig], rows, g0).wait()
            pltpu.sync_copy(rows, acc.at[isc], add=True)
            return c0

        lax.fori_loop(0, _STEPS, step, 0)
        plsc.subcore_barrier()
        _copy_out(stage, acc, out, sid)

    @pl.when(cid == 0)
    def _():
        run(hu, src_g, dst_s, sum_m)

    @pl.when(cid == 1)
    def _():
        run(hm, dst_g, src_s, sum_u)


@functools.cache
def _sc_calls():
    mesh = plsc.VectorSubcoreMesh(core_axis_name="c", subcore_axis_name="s",
                                  num_cores=2, num_subcores=_NS)
    edge_call = pl.kernel(
        _edge_body,
        out_type=(jax.ShapeDtypeStruct((_ACC_ROWS, H), jnp.float32),
                  jax.ShapeDtypeStruct((_ACC_ROWS, H), jnp.float32)),
        mesh=mesh,
        scratch_types=(
            pltpu.VMEM((_CHUNK,), jnp.int32),
            pltpu.VMEM((_CHUNK,), jnp.int32),
            pltpu.VMEM((_CHUNK, H), jnp.float32),
            pltpu.VMEM((_SROWS, H), jnp.float32),
            pltpu.VMEM_SHARED((_ACC_ROWS, H), jnp.float32),
            pltpu.SemaphoreType.DMA,
        ),
    )
    return edge_call


def _proj_body(mg, w, b, out):
    out[...] = (jnp.dot(mg[...], w[...], preferred_element_type=jnp.float32)
                + b[...][None, :])


_proj_call = pl.pallas_call(
    _proj_body,
    out_shape=jax.ShapeDtypeStruct((NM, H), jnp.float32),
)


def _bn_leaky(x, g, b):
    mu = jnp.mean(x, axis=0, keepdims=True)
    va = jnp.mean((x - mu) ** 2, axis=0, keepdims=True)
    y = (x - mu) * lax.rsqrt(va + EPS) * g[None, :] + b[None, :]
    return jnp.where(y > 0, y, SLOPE * y)


def _dense_body(hu, hm, summ, sumu, degm, degu,
                wsr, wnr, br, wsv, wnv, bv, gm, bm, gu, bu, huo, hmo):
    dm = jnp.maximum(degm[0:NM, 0:1], 1.0)
    du = jnp.maximum(degu[0:NU, 0:1], 1.0)
    neigh_m = summ[0:NM, :] / dm
    neigh_u = sumu[0:NU, :] / du
    new_m = (jnp.dot(hm[...], wsr[...], preferred_element_type=jnp.float32)
             + jnp.dot(neigh_m, wnr[...], preferred_element_type=jnp.float32)
             + br[...][None, :])
    new_u = (jnp.dot(hu[...], wsv[...], preferred_element_type=jnp.float32)
             + jnp.dot(neigh_u, wnv[...], preferred_element_type=jnp.float32)
             + bv[...][None, :])
    hmo[...] = hm[...] + _bn_leaky(new_m, gm[...], bm[...])
    huo[...] = hu[...] + _bn_leaky(new_u, gu[...], bu[...])


_dense_call = pl.pallas_call(
    _dense_body,
    out_shape=(jax.ShapeDtypeStruct((NU, H), jnp.float32),
               jax.ShapeDtypeStruct((NM, H), jnp.float32)),
)


def kernel(movie_genre, edge_index, user_emb, W_mp, b_mp,
           Wself_rates, Wneigh_rates, b_rates,
           Wself_rev, Wneigh_rev, b_rev,
           gamma_u, beta_u, gamma_m, beta_m):
    src = edge_index[0].astype(jnp.int32)
    dst = edge_index[1].astype(jnp.int32)
    pad = _EPAD - E
    zpad = jnp.zeros((pad,), jnp.int32)
    tpad = jnp.full((pad,), _TRASH, jnp.int32)
    src_g = jnp.concatenate([src, zpad])
    dst_g = jnp.concatenate([dst, zpad])
    src_s = jnp.concatenate([src, tpad])
    dst_s = jnp.concatenate([dst, tpad])

    _edge_call = _sc_calls()
    h_movie0 = _proj_call(movie_genre, W_mp, b_mp)
    ones_tab = jnp.ones((NU, H), jnp.float32)

    def _step(l, carry):
        h_user, h_movie, deg_m, deg_u = carry
        is_deg = l == 0
        tu = lax.cond(is_deg, lambda: ones_tab, lambda: h_user)
        tm = lax.cond(is_deg, lambda: ones_tab, lambda: h_movie)
        sum_m, sum_u = _edge_call(tu, tm, src_g, dst_g, src_s, dst_s)

        def deg_case():
            return h_user, h_movie, sum_m[:, 0:16], sum_u[:, 0:16]

        def layer_case():
            j = l - 1
            idx = lambda a: lax.dynamic_index_in_dim(a, j, 0, keepdims=False)
            hu2, hm2 = _dense_call(
                h_user, h_movie, sum_m, sum_u, deg_m, deg_u,
                idx(Wself_rates), idx(Wneigh_rates), idx(b_rates),
                idx(Wself_rev), idx(Wneigh_rev), idx(b_rev),
                idx(gamma_m), idx(beta_m), idx(gamma_u), idx(beta_u))
            return hu2, hm2, deg_m, deg_u

        return lax.cond(is_deg, deg_case, layer_case)

    zdeg = jnp.zeros((_ACC_ROWS, 16), jnp.float32)
    h_user, h_movie, _, _ = lax.fori_loop(
        0, 3, _step, (user_emb, h_movie0, zdeg, zdeg))
    return (h_user, h_movie)

# --- scband reference (transcript-rebuilt; emitter-appended) ---
"""Pipeline reference for scband-bipartite-graph-sageencoder-82145544503772 (READ-ONLY COPY).

The authoritative reference and input builder live on the scoring server;
editing this copy changes nothing except your own understanding.
"""

import jax, jax.numpy as jnp
import numpy as np

NUM_USERS = 10000
NUM_MOVIES = 10000
NUM_EDGES = 320000
MOVIE_IN = 32
H = 128
L = 2
EPS = 1e-5
NEG_SLOPE = 0.1


def setup_inputs(seed: int = 0) -> dict:
    key = jax.random.key(seed)
    ks = jax.random.split(key, 16)
    movie_genre = jax.random.normal(ks[0], (NUM_MOVIES, MOVIE_IN), dtype=jnp.float32)
    src_user = jax.random.randint(ks[1], (NUM_EDGES,), 0, NUM_USERS)
    dst_movie = jax.random.randint(ks[2], (NUM_EDGES,), 0, NUM_MOVIES)
    edge_index = jnp.stack([src_user, dst_movie], axis=0)

    user_emb = jax.random.normal(ks[3], (NUM_USERS, H), dtype=jnp.float32)
    s_in = 1.0 / np.sqrt(MOVIE_IN)
    s_h = 1.0 / np.sqrt(H)
    W_mp = jax.random.uniform(ks[4], (MOVIE_IN, H), minval=-s_in, maxval=s_in, dtype=jnp.float32)
    b_mp = jnp.zeros((H,), dtype=jnp.float32)
    Wself_rates = jax.random.uniform(ks[5], (L, H, H), minval=-s_h, maxval=s_h, dtype=jnp.float32)
    Wneigh_rates = jax.random.uniform(ks[6], (L, H, H), minval=-s_h, maxval=s_h, dtype=jnp.float32)
    b_rates = jnp.zeros((L, H), dtype=jnp.float32)
    Wself_rev = jax.random.uniform(ks[7], (L, H, H), minval=-s_h, maxval=s_h, dtype=jnp.float32)
    Wneigh_rev = jax.random.uniform(ks[8], (L, H, H), minval=-s_h, maxval=s_h, dtype=jnp.float32)
    b_rev = jnp.zeros((L, H), dtype=jnp.float32)
    gamma_u = jnp.ones((L, H), dtype=jnp.float32)
    beta_u = jnp.zeros((L, H), dtype=jnp.float32)
    gamma_m = jnp.ones((L, H), dtype=jnp.float32)
    beta_m = jnp.zeros((L, H), dtype=jnp.float32)
    return {
        'movie_genre': movie_genre, 'edge_index': edge_index, 'user_emb': user_emb,
        'W_mp': W_mp, 'b_mp': b_mp,
        'Wself_rates': Wself_rates, 'Wneigh_rates': Wneigh_rates, 'b_rates': b_rates,
        'Wself_rev': Wself_rev, 'Wneigh_rev': Wneigh_rev, 'b_rev': b_rev,
        'gamma_u': gamma_u, 'beta_u': beta_u, 'gamma_m': gamma_m, 'beta_m': beta_m,
    }


def _bn(x, g, b):
    m = jnp.mean(x, axis=0)
    v = jnp.var(x, axis=0)
    return (x - m) / jnp.sqrt(v + EPS) * g + b


def _leaky(x):
    return jnp.where(x > 0, x, NEG_SLOPE * x)


def reference(movie_genre, edge_index, user_emb, W_mp, b_mp,
              Wself_rates, Wneigh_rates, b_rates,
              Wself_rev, Wneigh_rev, b_rev,
              gamma_u, beta_u, gamma_m, beta_m):
    src = edge_index[0]
    dst = edge_index[1]
    ones = jnp.ones((src.shape[0],), dtype=jnp.float32)
    deg_m = jnp.clip(jax.ops.segment_sum(ones, dst, num_segments=NUM_MOVIES), 1.0)[:, None]
    deg_u = jnp.clip(jax.ops.segment_sum(ones, src, num_segments=NUM_USERS), 1.0)[:, None]

    h_user = user_emb
    h_movie = movie_genre @ W_mp + b_mp

    for l in range(L):
        # 'rates': user -> movie (mean aggregator SAGEConv)
        neigh_m = jax.ops.segment_sum(jnp.take(h_user, src, axis=0), dst, num_segments=NUM_MOVIES) / deg_m
        new_m = h_movie @ Wself_rates[l] + neigh_m @ Wneigh_rates[l] + b_rates[l]
        # 'rev_rates': movie -> user
        neigh_u = jax.ops.segment_sum(jnp.take(h_movie, dst, axis=0), src, num_segments=NUM_USERS) / deg_u
        new_u = h_user @ Wself_rev[l] + neigh_u @ Wneigh_rev[l] + b_rev[l]
        # batchnorm (batch statistics) + LeakyReLU(0.1); dropout = identity at eval
        new_u = _leaky(_bn(new_u, gamma_u[l], beta_u[l]))
        new_m = _leaky(_bn(new_m, gamma_m[l], beta_m[l]))
        # residual (shapes always match: H == out_dim)
        h_user = h_user + new_u
        h_movie = h_movie + new_m

    # user_out_proj is Identity since hidden_dim == out_dim
    return (h_user, h_movie)

if __name__ == "__main__":
    import jax
    _d = setup_inputs()
    print(jax.jit(kernel)(*tuple(_d.values())))

</pallas_src>

<mosaic_0001>
#map = affine_map<(d0, d1) -> (0, 0)>
#map1 = affine_map<(d0, d1) -> (0)>
module attributes {stable_mosaic.version = 14 : i64} {
  func.func @_edge_body(%arg0: i32, %arg1: i32, %arg2: memref<10000x128xf32, #tpu.memory_space<hbm>>, %arg3: memref<10000x128xf32, #tpu.memory_space<hbm>>, %arg4: memref<327680xi32, #tpu.memory_space<hbm>>, %arg5: memref<327680xi32, #tpu.memory_space<hbm>>, %arg6: memref<327680xi32, #tpu.memory_space<hbm>>, %arg7: memref<327680xi32, #tpu.memory_space<hbm>>, %arg8: memref<10240x128xf32, #tpu.memory_space<hbm>>, %arg9: memref<10240x128xf32, #tpu.memory_space<hbm>>, %arg10: memref<128xi32, #tpu.memory_space<vmem>>, %arg11: memref<128xi32, #tpu.memory_space<vmem>>, %arg12: memref<128x128xf32, #tpu.memory_space<vmem>>, %arg13: memref<32x128xf32, #tpu.memory_space<vmem>>, %arg14: memref<10240x128xf32, #tpu.memory_space<vmem_shared>>, %arg15: memref<!tpu.dma_semaphore, #tpu.memory_space<semaphore_mem>>) attributes {dimension_semantics = [#tpu.dimension_semantics<core_parallel>, #tpu.dimension_semantics<subcore_parallel>], iteration_bounds = array<i64: 2, 16>, scalar_prefetch = 0 : i64, scratch_operands = 6 : i64, tpu.core_type = #tpu.core_type<sc_vector_subcore>, window_params = [{transform_indices = #map}, {transform_indices = #map}, {transform_indices = #map1}, {transform_indices = #map1}, {transform_indices = #map1}, {transform_indices = #map1}, {transform_indices = #map}, {transform_indices = #map}]} {
    %broadcast_in_dim3A = arith.constant 0.000000e+00 : f32
    %broadcast_in_dim3A_0 = vector.broadcast %broadcast_in_dim3A : f32 to vector<16xf32>
    %scan3A = arith.constant 0 : i32
    %scan3A_1 = arith.constant 0 : i32
    %scan3A_2 = arith.constant 32 : i32
    %scan3A_3 = arith.addi %scan3A_1, %scan3A_2 : i32
    %scan3A_4 = arith.constant 1 : i32
    scf.for %scan3A_19 = %scan3A_1 to %scan3A_3 step %scan3A_4  : i32 {
      %swap3A = arith.index_cast %scan3A_19 : i32 to index
      %swap3A_20 = arith.constant 0 : index
      %swap3A_21 = tpu.vector_load %arg13[%swap3A, %swap3A_20] {strides = array<i32>} : memref<32x128xf32, #tpu.memory_space<vmem>>, vector<1x16xf32>,
      %swap3A_22 = vector.shape_cast %swap3A_21 : vector<1x16xf32> to vector<16xf32>
      %swap3A_23 = vector.shape_cast %broadcast_in_dim3A_0 : vector<16xf32> to vector<1x16xf32>
      tpu.vector_store %arg13[%swap3A, %swap3A_20], %swap3A_23 {strides = array<i32>} : memref<32x128xf32, #tpu.memory_space<vmem>>, vector<1x16xf32>,
      %swap3A_24 = arith.index_cast %scan3A_19 : i32 to index
      %swap3A_25 = arith.constant 16 : index
      %swap3A_26 = tpu.vector_load %arg13[%swap3A_24, %swap3A_25] {strides = array<i32>} : memref<32x128xf32, #tpu.memory_space<vmem>>, vector<1x16xf32>,
      %swap3A_27 = vector.shape_cast %swap3A_26 : vector<1x16xf32> to vector<16xf32>
      %swap3A_28 = vector.shape_cast %broadcast_in_dim3A_0 : vector<16xf32> to vector<1x16xf32>
      tpu.vector_store %arg13[%swap3A_24, %swap3A_25], %swap3A_28 {strides = array<i32>} : memref<32x128xf32, #tpu.memory_space<vmem>>, vector<1x16xf32>,
      %swap3A_29 = arith.index_cast %scan3A_19 : i32 to index
      %swap3A_30 = arith.constant 32 : index
      %swap3A_31 = tpu.vector_load %arg13[%swap3A_29, %swap3A_30] {strides = array<i32>} : memref<32x128xf32, #tpu.memory_space<vmem>>, vector<1x16xf32>,
      %swap3A_32 = vector.shape_cast %swap3A_31 : vector<1x16xf32> to vector<16xf32>
      %swap3A_33 = vector.shape_cast %broadcast_in_dim3A_0 : vector<16xf32> to vector<1x16xf32>
      tpu.vector_store %arg13[%swap3A_29, %swap3A_30], %swap3A_33 {strides = array<i32>} : memref<32x128xf32, #tpu.memory_space<vmem>>, vector<1x16xf32>,
      %swap3A_34 = arith.index_cast %scan3A_19 : i32 to index
      %swap3A_35 = arith.constant 48 : index
      %swap3A_36 = tpu.vector_load %arg13[%swap3A_34, %swap3A_35] {strides = array<i32>} : memref<32x128xf32, #tpu.memory_space<vmem>>, vector<1x16xf32>,
      %swap3A_37 = vector.shape_cast %swap3A_36 : vector<1x16xf32> to vector<16xf32>
      %swap3A_38 = vector.shape_cast %broadcast_in_dim3A_0 : vector<16xf32> to vector<1x16xf32>
      tpu.vector_store %arg13[%swap3A_34, %swap3A_35], %swap3A_38 {strides = array<i32>} : memref<32x128xf32, #tpu.memory_space<vmem>>, vector<1x16xf32>,
      %swap3A_39 = arith.index_cast %scan3A_19 : i32 to index
      %swap3A_40 = arith.constant 64 : index
      %swap3A_41 = tpu.vector_load %arg13[%swap3A_39, %swap3A_40] {strides = array<i32>} : memref<32x128xf32, #tpu.memory_space<vmem>>, vector<1x16xf32>,
      %swap3A_42 = vector.shape_cast %swap3A_41 : vector<1x16xf32> to vector<16xf32>
      %swap3A_43 = vector.shape_cast %broadcast_in_dim3A_0 : vector<16xf32> to vector<1x16xf32>
      tpu.vector_store %arg13[%swap3A_39, %swap3A_40], %swap3A_43 {strides = array<i32>} : memref<32x128xf32, #tpu.memory_space<vmem>>, vector<1x16xf32>,
      %swap3A_44 = arith.index_cast %scan3A_19 : i32 to index
      %swap3A_45 = arith.constant 80 : index
      %swap3A_46 = tpu.vector_load %arg13[%swap3A_44, %swap3A_45] {strides = array<i32>} : memref<32x128xf32, #tpu.memory_space<vmem>>, vector<1x16xf32>,
      %swap3A_47 = vector.shape_cast %swap3A_46 : vector<1x16xf32> to vector<16xf32>
      %swap3A_48 = vector.shape_cast %broadcast_in_dim3A_0 : vector<16xf32> to vector<1x16xf32>
      tpu.vector_store %arg13[%swap3A_44, %swap3A_45], %swap3A_48 {strides = array<i32>} : memref<32x128xf32, #tpu.memory_space<vmem>>, vector<1x16xf32>,
      %swap3A_49 = arith.index_cast %scan3A_19 : i32 to index
      %swap3A_50 = arith.constant 96 : index
      %swap3A_51 = tpu.vector_load %arg13[%swap3A_49, %swap3A_50] {strides = array<i32>} : memref<32x128xf32, #tpu.memory_space<vmem>>, vector<1x16xf32>,
      %swap3A_52 = vector.shape_cast %swap3A_51 : vector<1x16xf32> to vector<16xf32>
      %swap3A_53 = vector.shape_cast %broadcast_in_dim3A_0 : vector<16xf32> to vector<1x16xf32>
      tpu.vector_store %arg13[%swap3A_49, %swap3A_50], %swap3A_53 {strides = array<i32>} : memref<32x128xf32, #tpu.memory_space<vmem>>, vector<1x16xf32>,
      %swap3A_54 = arith.index_cast %scan3A_19 : i32 to index
      %swap3A_55 = arith.constant 112 : index
      %swap3A_56 = tpu.vector_load %arg13[%swap3A_54, %swap3A_55] {strides = array<i32>} : memref<32x128xf32, #tpu.memory_space<vmem>>, vector<1x16xf32>,
      %swap3A_57 = vector.shape_cast %swap3A_56 : vector<1x16xf32> to vector<16xf32>
      %swap3A_58 = vector.shape_cast %broadcast_in_dim3A_0 : vector<16xf32> to vector<1x16xf32>
      tpu.vector_store %arg13[%swap3A_54, %swap3A_55], %swap3A_58 {strides = array<i32>} : memref<32x128xf32, #tpu.memory_space<vmem>>, vector<1x16xf32>,
    }
    %scan3A_5 = arith.constant 32 : i32
    %scan3A_6 = arith.constant 0 : i32
    %scan3A_7 = arith.constant 0 : i32
    %scan3A_8 = arith.constant 20 : i32
    %scan3A_9 = arith.addi %scan3A_7, %scan3A_8 : i32
    %scan3A_10 = arith.constant 1 : i32
    scf.for %scan3A_19 = %scan3A_7 to %scan3A_9 step %scan3A_10  : i32 {
      %mul3A = arith.constant 640 : i32
      %mul3A_20 = arith.muli %arg1, %mul3A : i32
      %mul3A_21 = arith.constant 32 : i32
      %mul3A_22 = arith.muli %scan3A_19, %mul3A_21 : i32
      %add3A = arith.addi %mul3A_20, %mul3A_22 : i32
      "tpu.region"() ({
        %run_scoped3A = tpu.sem_alloc : memref<!tpu.dma_semaphore, #tpu.memory_space<semaphore_mem>>
        %dma_start3A = arith.constant 0 : i32
        %dma_start3A_23 = tpu.memref_slice %arg14[%add3A, %dma_start3A] : memref<10240x128xf32, #tpu.memory_space<vmem_shared>> -> memref<32x128xf32, #tpu.memory_space<vmem_shared>>
        %dma_start3A_24 = arith.constant 0 : i32
        %dma_start3A_25 = tpu.memref_slice %arg14[%add3A, %dma_start3A_24] : memref<10240x128xf32, #tpu.memory_space<vmem_shared>> -> memref<32x128xf32, #tpu.memory_space<vmem_shared>>
        tpu.enqueue_dma source(%arg13 : memref<32x128xf32, #tpu.memory_space<vmem>>) target(%dma_start3A_25 : memref<32x128xf32, #tpu.memory_space<vmem_shared>>) target_semaphore(%run_scoped3A : memref<!tpu.dma_semaphore, #tpu.memory_space<semaphore_mem>>)
        %dma_wait3A = arith.constant 0 : i32
        %dma_wait3A_26 = tpu.memref_slice %arg14[%add3A, %dma_wait3A] : memref<10240x128xf32, #tpu.memory_space<vmem_shared>> -> memref<32x128xf32, #tpu.memory_space<vmem_shared>>
        %dma_wait3A_27 = arith.constant 0 : i32
        %dma_wait3A_28 = tpu.memref_slice %arg14[%add3A, %dma_wait3A_27] : memref<10240x128xf32, #tpu.memory_space<vmem_shared>> -> memref<32x128xf32, #tpu.memory_space<vmem_shared>>
        tpu.wait_dma2 semaphore(%run_scoped3A : memref<!tpu.dma_semaphore, #tpu.memory_space<semaphore_mem>>) src(%arg13 : memref<32x128xf32, #tpu.memory_space<vmem>>) dst(%dma_wait3A_28 : memref<32x128xf32, #tpu.memory_space<vmem_shared>>)
        tpu.yield
      }) : () -> ()
    }
    %scan3A_11 = arith.constant 20 : i32
    %barrier3A = arith.constant 0 : index
    tpu.barrier barrier_id(%barrier3A)
    %eq3A = arith.constant 0 : i32
    %eq3A_12 = arith.cmpi eq, %arg0, %eq3A : i32
    %convert_element_type3A = arith.extui %eq3A_12 : i1 to i32
    %cond3A = arith.constant 0 : i32
    %cond3A_13 = arith.cmpi ne, %convert_element_type3A, %cond3A : i32
    scf.if %cond3A_13 {
      %mul3A = arith.constant 20480 : i32
      %mul3A_19 = arith.muli %arg1, %mul3A : i32
      %scan3A_20 = arith.constant 0 : i32
      %scan3A_21 = arith.constant 0 : i32
      %scan3A_22 = arith.constant 160 : i32
      %scan3A_23 = arith.addi %scan3A_21, %scan3A_22 : i32
      %scan3A_24 = arith.constant 1 : i32
      scf.for %scan3A_33 = %scan3A_21 to %scan3A_23 step %scan3A_24  : i32 {
        %mul3A_34 = arith.constant 128 : i32
        %mul3A_35 = arith.muli %scan3A_33, %mul3A_34 : i32
        %add3A = arith.addi %mul3A_19, %mul3A_35 : i32
        "tpu.region"() ({
          %run_scoped3A = tpu.sem_alloc : memref<!tpu.dma_semaphore, #tpu.memory_space<semaphore_mem>>
          %dma_start3A_40 = tpu.memref_slice %arg4[%add3A] : memref<327680xi32, #tpu.memory_space<hbm>> -> memref<128xi32, #tpu.memory_space<hbm>>
          %dma_start3A_41 = tpu.memref_slice %arg4[%add3A] : memref<327680xi32, #tpu.memory_space<hbm>> -> memref<128xi32, #tpu.memory_space<hbm>>
          tpu.enqueue_dma source(%dma_start3A_41 : memref<128xi32, #tpu.memory_space<hbm>>) target(%arg10 : memref<128xi32, #tpu.memory_space<vmem>>) target_semaphore(%run_scoped3A : memref<!tpu.dma_semaphore, #tpu.memory_space<semaphore_mem>>)
          %dma_wait3A_42 = tpu.memref_slice %arg4[%add3A] : memref<327680xi32, #tpu.memory_space<hbm>> -> memref<128xi32, #tpu.memory_space<hbm>>
          %dma_wait3A_43 = tpu.memref_slice %arg4[%add3A] : memref<327680xi32, #tpu.memory_space<hbm>> -> memref<128xi32, #tpu.memory_space<hbm>>
          tpu.wait_dma2 semaphore(%run_scoped3A : memref<!tpu.dma_semaphore, #tpu.memory_space<semaphore_mem>>) src(%dma_wait3A_43 : memref<128xi32, #tpu.memory_space<hbm>>) dst(%arg10 : memref<128xi32, #tpu.memory_space<vmem>>)
          tpu.yield
        }) : () -> ()
        "tpu.region"() ({
          %run_scoped3A = tpu.sem_alloc : memref<!tpu.dma_semaphore, #tpu.memory_space<semaphore_mem>>
          %dma_start3A_40 = tpu.memref_slice %arg7[%add3A] : memref<327680xi32, #tpu.memory_space<hbm>> -> memref<128xi32, #tpu.memory_space<hbm>>
          %dma_start3A_41 = tpu.memref_slice %arg7[%add3A] : memref<327680xi32, #tpu.memory_space<hbm>> -> memref<128xi32, #tpu.memory_space<hbm>>
          tpu.enqueue_dma source(%dma_start3A_41 : memref<128xi32, #tpu.memory_space<hbm>>) target(%arg11 : memref<128xi32, #tpu.memory_space<vmem>>) target_semaphore(%run_scoped3A : memref<!tpu.dma_semaphore, #tpu.memory_space<semaphore_mem>>)
          %dma_wait3A_42 = tpu.memref_slice %arg7[%add3A] : memref<327680xi32, #tpu.memory_space<hbm>> -> memref<128xi32, #tpu.memory_space<hbm>>
          %dma_wait3A_43 = tpu.memref_slice %arg7[%add3A] : memref<327680xi32, #tpu.memory_space<hbm>> -> memref<128xi32, #tpu.memory_space<hbm>>
          tpu.wait_dma2 semaphore(%run_scoped3A : memref<!tpu.dma_semaphore, #tpu.memory_space<semaphore_mem>>) src(%dma_wait3A_43 : memref<128xi32, #tpu.memory_space<hbm>>) dst(%arg11 : memref<128xi32, #tpu.memory_space<vmem>>)
          tpu.yield
        }) : () -> ()
        %dma_start3A = arith.constant 0 : i32
        %dma_start3A_36 = arith.constant 0 : i32
        %dma_start3A_37 = tpu.memref_slice %arg2[%dma_start3A, %dma_start3A_36] : memref<10000x128xf32, #tpu.memory_space<hbm>> -> memref<10000x128xf32, #tpu.memory_space<hbm>>
        tpu.enqueue_indirect_dma source(%dma_start3A_37 : memref<10000x128xf32, #tpu.memory_space<hbm>>) target(%arg12 : memref<128x128xf32, #tpu.memory_space<vmem>>) offsets(%arg10 : memref<128xi32, #tpu.memory_space<vmem>>) semaphore(%arg15 : memref<!tpu.dma_semaphore, #tpu.memory_space<semaphore_mem>>)
        %dma_wait3A = arith.constant 0 : i32
        %dma_wait3A_38 = arith.constant 0 : i32
        %dma_wait3A_39 = tpu.memref_slice %arg2[%dma_wait3A, %dma_wait3A_38] : memref<10000x128xf32, #tpu.memory_space<hbm>> -> memref<10000x128xf32, #tpu.memory_space<hbm>>
        tpu.wait_indirect_dma semaphore(%arg15 : memref<!tpu.dma_semaphore, #tpu.memory_space<semaphore_mem>>) src(%dma_wait3A_39 : memref<10000x128xf32, #tpu.memory_space<hbm>>) dst(%arg12 : memref<128x128xf32, #tpu.memory_space<vmem>>)
        "tpu.region"() ({
          %run_scoped3A = tpu.sem_alloc : memref<!tpu.dma_semaphore, #tpu.memory_space<semaphore_mem>>
          %dma_start3A_40 = arith.constant 0 : i32
          %dma_start3A_41 = arith.constant 0 : i32
          %dma_start3A_42 = tpu.memref_slice %arg14[%dma_start3A_40, %dma_start3A_41] : memref<10240x128xf32, #tpu.memory_space<vmem_shared>> -> memref<10240x128xf32, #tpu.memory_space<vmem_shared>>
          tpu.enqueue_indirect_dma source(%arg12 : memref<128x128xf32, #tpu.memory_space<vmem>>) target(%dma_start3A_42 : memref<10240x128xf32, #tpu.memory_space<vmem_shared>>) offsets(%arg11 : memref<128xi32, #tpu.memory_space<vmem>>) semaphore(%run_scoped3A : memref<!tpu.dma_semaphore, #tpu.memory_space<semaphore_mem>>) {add = true}
          %dma_wait3A_43 = arith.constant 0 : i32
          %dma_wait3A_44 = arith.constant 0 : i32
          %dma_wait3A_45 = tpu.memref_slice %arg14[%dma_wait3A_43, %dma_wait3A_44] : memref<10240x128xf32, #tpu.memory_space<vmem_shared>> -> memref<10240x128xf32, #tpu.memory_space<vmem_shared>>
          tpu.wait_indirect_dma semaphore(%run_scoped3A : memref<!tpu.dma_semaphore, #tpu.memory_space<semaphore_mem>>) src(%arg12 : memref<128x128xf32, #tpu.memory_space<vmem>>) dst(%dma_wait3A_45 : memref<10240x128xf32, #tpu.memory_space<vmem_shared>>)
          tpu.yield
        }) : () -> ()
      }
      %scan3A_25 = arith.constant 160 : i32
      %barrier3A_26 = arith.constant 0 : index
      tpu.barrier barrier_id(%barrier3A_26)
      %scan3A_27 = arith.constant 0 : i32
      %scan3A_28 = arith.constant 0 : i32
      %scan3A_29 = arith.constant 20 : i32
      %scan3A_30 = arith.addi %scan3A_28, %scan3A_29 : i32
      %scan3A_31 = arith.constant 1 : i32
      scf.for %scan3A_33 = %scan3A_28 to %scan3A_30 step %scan3A_31  : i32 {
        %mul3A_34 = arith.constant 640 : i32
        %mul3A_35 = arith.muli %arg1, %mul3A_34 : i32
        %mul3A_36 = arith.constant 32 : i32
        %mul3A_37 = arith.muli %scan3A_33, %mul3A_36 : i32
        %add3A = arith.addi %mul3A_35, %mul3A_37 : i32
        "tpu.region"() ({
          %run_scoped3A = tpu.sem_alloc : memref<!tpu.dma_semaphore, #tpu.memory_space<semaphore_mem>>
          %dma_start3A = arith.constant 0 : i32
          %dma_start3A_38 = tpu.memref_slice %arg14[%add3A, %dma_start3A] : memref<10240x128xf32, #tpu.memory_space<vmem_shared>> -> memref<32x128xf32, #tpu.memory_space<vmem_shared>>
          %dma_start3A_39 = arith.constant 0 : i32
          %dma_start3A_40 = tpu.memref_slice %arg14[%add3A, %dma_start3A_39] : memref<10240x128xf32, #tpu.memory_space<vmem_shared>> -> memref<32x128xf32, #tpu.memory_space<vmem_shared>>
          tpu.enqueue_dma source(%dma_start3A_40 : memref<32x128xf32, #tpu.memory_space<vmem_shared>>) target(%arg13 : memref<32x128xf32, #tpu.memory_space<vmem>>) target_semaphore(%run_scoped3A : memref<!tpu.dma_semaphore, #tpu.memory_space<semaphore_mem>>)
          %dma_wait3A = arith.constant 0 : i32
          %dma_wait3A_41 = tpu.memref_slice %arg14[%add3A, %dma_wait3A] : memref<10240x128xf32, #tpu.memory_space<vmem_shared>> -> memref<32x128xf32, #tpu.memory_space<vmem_shared>>
          %dma_wait3A_42 = arith.constant 0 : i32
          %dma_wait3A_43 = tpu.memref_slice %arg14[%add3A, %dma_wait3A_42] : memref<10240x128xf32, #tpu.memory_space<vmem_shared>> -> memref<32x128xf32, #tpu.memory_space<vmem_shared>>
          tpu.wait_dma2 semaphore(%run_scoped3A : memref<!tpu.dma_semaphore, #tpu.memory_space<semaphore_mem>>) src(%dma_wait3A_43 : memref<32x128xf32, #tpu.memory_space<vmem_shared>>) dst(%arg13 : memref<32x128xf32, #tpu.memory_space<vmem>>)
          tpu.yield
        }) : () -> ()
        "tpu.region"() ({
          %run_scoped3A = tpu.sem_alloc : memref<!tpu.dma_semaphore, #tpu.memory_space<semaphore_mem>>
          %dma_start3A = arith.constant 0 : i32
          %dma_start3A_38 = tpu.memref_slice %arg8[%add3A, %dma_start3A] : memref<10240x128xf32, #tpu.memory_space<hbm>> -> memref<32x128xf32, #tpu.memory_space<hbm>>
          %dma_start3A_39 = arith.constant 0 : i32
          %dma_start3A_40 = tpu.memref_slice %arg8[%add3A, %dma_start3A_39] : memref<10240x128xf32, #tpu.memory_space<hbm>> -> memref<32x128xf32, #tpu.memory_space<hbm>>
          tpu.enqueue_dma source(%arg13 : memref<32x128xf32, #tpu.memory_space<vmem>>) target(%dma_start3A_40 : memref<32x128xf32, #tpu.memory_space<hbm>>) target_semaphore(%run_scoped3A : memref<!tpu.dma_semaphore, #tpu.memory_space<semaphore_mem>>)
          %dma_wait3A = arith.constant 0 : i32
          %dma_wait3A_41 = tpu.memref_slice %arg8[%add3A, %dma_wait3A] : memref<10240x128xf32, #tpu.memory_space<hbm>> -> memref<32x128xf32, #tpu.memory_space<hbm>>
          %dma_wait3A_42 = arith.constant 0 : i32
          %dma_wait3A_43 = tpu.memref_slice %arg8[%add3A, %dma_wait3A_42] : memref<10240x128xf32, #tpu.memory_space<hbm>> -> memref<32x128xf32, #tpu.memory_space<hbm>>
          tpu.wait_dma2 semaphore(%run_scoped3A : memref<!tpu.dma_semaphore, #tpu.memory_space<semaphore_mem>>) src(%arg13 : memref<32x128xf32, #tpu.memory_space<vmem>>) dst(%dma_wait3A_43 : memref<32x128xf32, #tpu.memory_space<hbm>>)
          tpu.yield
        }) : () -> ()
      }
      %scan3A_32 = arith.constant 20 : i32
    } else {
    }
    %eq3A_14 = arith.constant 1 : i32
    %eq3A_15 = arith.cmpi eq, %arg0, %eq3A_14 : i32
    %convert_element_type3A_16 = arith.extui %eq3A_15 : i1 to i32
    %cond3A_17 = arith.constant 0 : i32
    %cond3A_18 = arith.cmpi ne, %convert_element_type3A_16, %cond3A_17 : i32
    scf.if %cond3A_18 {
      %mul3A = arith.constant 20480 : i32
      %mul3A_19 = arith.muli %arg1, %mul3A : i32
      %scan3A_20 = arith.constant 0 : i32
      %scan3A_21 = arith.constant 0 : i32
      %scan3A_22 = arith.constant 160 : i32
      %scan3A_23 = arith.addi %scan3A_21, %scan3A_22 : i32
      %scan3A_24 = arith.constant 1 : i32
      scf.for %scan3A_33 = %scan3A_21 to %scan3A_23 step %scan3A_24  : i32 {
        %mul3A_34 = arith.constant 128 : i32
        %mul3A_35 = arith.muli %scan3A_33, %mul3A_34 : i32
        %add3A = arith.addi %mul3A_19, %mul3A_35 : i32
        "tpu.region"() ({
          %run_scoped3A = tpu.sem_alloc : memref<!tpu.dma_semaphore, #tpu.memory_space<semaphore_mem>>
          %dma_start3A_40 = tpu.memref_slice %arg5[%add3A] : memref<327680xi32, #tpu.memory_space<hbm>> -> memref<128xi32, #tpu.memory_space<hbm>>
          %dma_start3A_41 = tpu.memref_slice %arg5[%add3A] : memref<327680xi32, #tpu.memory_space<hbm>> -> memref<128xi32, #tpu.memory_space<hbm>>
          tpu.enqueue_dma source(%dma_start3A_41 : memref<128xi32, #tpu.memory_space<hbm>>) target(%arg10 : memref<128xi32, #tpu.memory_space<vmem>>) target_semaphore(%run_scoped3A : memref<!tpu.dma_semaphore, #tpu.memory_space<semaphore_mem>>)
          %dma_wait3A_42 = tpu.memref_slice %arg5[%add3A] : memref<327680xi32, #tpu.memory_space<hbm>> -> memref<128xi32, #tpu.memory_space<hbm>>
          %dma_wait3A_43 = tpu.memref_slice %arg5[%add3A] : memref<327680xi32, #tpu.memory_space<hbm>> -> memref<128xi32, #tpu.memory_space<hbm>>
          tpu.wait_dma2 semaphore(%run_scoped3A : memref<!tpu.dma_semaphore, #tpu.memory_space<semaphore_mem>>) src(%dma_wait3A_43 : memref<128xi32, #tpu.memory_space<hbm>>) dst(%arg10 : memref<128xi32, #tpu.memory_space<vmem>>)
          tpu.yield
        }) : () -> ()
        "tpu.region"() ({
          %run_scoped3A = tpu.sem_alloc : memref<!tpu.dma_semaphore, #tpu.memory_space<semaphore_mem>>
          %dma_start3A_40 = tpu.memref_slice %arg6[%add3A] : memref<327680xi32, #tpu.memory_space<hbm>> -> memref<128xi32, #tpu.memory_space<hbm>>
          %dma_start3A_41 = tpu.memref_slice %arg6[%add3A] : memref<327680xi32, #tpu.memory_space<hbm>> -> memref<128xi32, #tpu.memory_space<hbm>>
          tpu.enqueue_dma source(%dma_start3A_41 : memref<128xi32, #tpu.memory_space<hbm>>) target(%arg11 : memref<128xi32, #tpu.memory_space<vmem>>) target_semaphore(%run_scoped3A : memref<!tpu.dma_semaphore, #tpu.memory_space<semaphore_mem>>)
          %dma_wait3A_42 = tpu.memref_slice %arg6[%add3A] : memref<327680xi32, #tpu.memory_space<hbm>> -> memref<128xi32, #tpu.memory_space<hbm>>
          %dma_wait3A_43 = tpu.memref_slice %arg6[%add3A] : memref<327680xi32, #tpu.memory_space<hbm>> -> memref<128xi32, #tpu.memory_space<hbm>>
          tpu.wait_dma2 semaphore(%run_scoped3A : memref<!tpu.dma_semaphore, #tpu.memory_space<semaphore_mem>>) src(%dma_wait3A_43 : memref<128xi32, #tpu.memory_space<hbm>>) dst(%arg11 : memref<128xi32, #tpu.memory_space<vmem>>)
          tpu.yield
        }) : () -> ()
        %dma_start3A = arith.constant 0 : i32
        %dma_start3A_36 = arith.constant 0 : i32
        %dma_start3A_37 = tpu.memref_slice %arg3[%dma_start3A, %dma_start3A_36] : memref<10000x128xf32, #tpu.memory_space<hbm>> -> memref<10000x128xf32, #tpu.memory_space<hbm>>
        tpu.enqueue_indirect_dma source(%dma_start3A_37 : memref<10000x128xf32, #tpu.memory_space<hbm>>) target(%arg12 : memref<128x128xf32, #tpu.memory_space<vmem>>) offsets(%arg10 : memref<128xi32, #tpu.memory_space<vmem>>) semaphore(%arg15 : memref<!tpu.dma_semaphore, #tpu.memory_space<semaphore_mem>>)
        %dma_wait3A = arith.constant 0 : i32
        %dma_wait3A_38 = arith.constant 0 : i32
        %dma_wait3A_39 = tpu.memref_slice %arg3[%dma_wait3A, %dma_wait3A_38] : memref<10000x128xf32, #tpu.memory_space<hbm>> -> memref<10000x128xf32, #tpu.memory_space<hbm>>
        tpu.wait_indirect_dma semaphore(%arg15 : memref<!tpu.dma_semaphore, #tpu.memory_space<semaphore_mem>>) src(%dma_wait3A_39 : memref<10000x128xf32, #tpu.memory_space<hbm>>) dst(%arg12 : memref<128x128xf32, #tpu.memory_space<vmem>>)
        "tpu.region"() ({
          %run_scoped3A = tpu.sem_alloc : memref<!tpu.dma_semaphore, #tpu.memory_space<semaphore_mem>>
          %dma_start3A_40 = arith.constant 0 : i32
          %dma_start3A_41 = arith.constant 0 : i32
          %dma_start3A_42 = tpu.memref_slice %arg14[%dma_start3A_40, %dma_start3A_41] : memref<10240x128xf32, #tpu.memory_space<vmem_shared>> -> memref<10240x128xf32, #tpu.memory_space<vmem_shared>>
          tpu.enqueue_indirect_dma source(%arg12 : memref<128x128xf32, #tpu.memory_space<vmem>>) target(%dma_start3A_42 : memref<10240x128xf32, #tpu.memory_space<vmem_shared>>) offsets(%arg11 : memref<128xi32, #tpu.memory_space<vmem>>) semaphore(%run_scoped3A : memref<!tpu.dma_semaphore, #tpu.memory_space<semaphore_mem>>) {add = true}
          %dma_wait3A_43 = arith.constant 0 : i32
          %dma_wait3A_44 = arith.constant 0 : i32
          %dma_wait3A_45 = tpu.memref_slice %arg14[%dma_wait3A_43, %dma_wait3A_44] : memref<10240x128xf32, #tpu.memory_space<vmem_shared>> -> memref<10240x128xf32, #tpu.memory_space<vmem_shared>>
          tpu.wait_indirect_dma semaphore(%run_scoped3A : memref<!tpu.dma_semaphore, #tpu.memory_space<semaphore_mem>>) src(%arg12 : memref<128x128xf32, #tpu.memory_space<vmem>>) dst(%dma_wait3A_45 : memref<10240x128xf32, #tpu.memory_space<vmem_shared>>)
          tpu.yield
        }) : () -> ()
      }
      %scan3A_25 = arith.constant 160 : i32
      %barrier3A_26 = arith.constant 0 : index
      tpu.barrier barrier_id(%barrier3A_26)
      %scan3A_27 = arith.constant 0 : i32
      %scan3A_28 = arith.constant 0 : i32
      %scan3A_29 = arith.constant 20 : i32
      %scan3A_30 = arith.addi %scan3A_28, %scan3A_29 : i32
      %scan3A_31 = arith.constant 1 : i32
      scf.for %scan3A_33 = %scan3A_28 to %scan3A_30 step %scan3A_31  : i32 {
        %mul3A_34 = arith.constant 640 : i32
        %mul3A_35 = arith.muli %arg1, %mul3A_34 : i32
        %mul3A_36 = arith.constant 32 : i32
        %mul3A_37 = arith.muli %scan3A_33, %mul3A_36 : i32
        %add3A = arith.addi %mul3A_35, %mul3A_37 : i32
        "tpu.region"() ({
          %run_scoped3A = tpu.sem_alloc : memref<!tpu.dma_semaphore, #tpu.memory_space<semaphore_mem>>
          %dma_start3A = arith.constant 0 : i32
          %dma_start3A_38 = tpu.memref_slice %arg14[%add3A, %dma_start3A] : memref<10240x128xf32, #tpu.memory_space<vmem_shared>> -> memref<32x128xf32, #tpu.memory_space<vmem_shared>>
          %dma_start3A_39 = arith.constant 0 : i32
          %dma_start3A_40 = tpu.memref_slice %arg14[%add3A, %dma_start3A_39] : memref<10240x128xf32, #tpu.memory_space<vmem_shared>> -> memref<32x128xf32, #tpu.memory_space<vmem_shared>>
          tpu.enqueue_dma source(%dma_start3A_40 : memref<32x128xf32, #tpu.memory_space<vmem_shared>>) target(%arg13 : memref<32x128xf32, #tpu.memory_space<vmem>>) target_semaphore(%run_scoped3A : memref<!tpu.dma_semaphore, #tpu.memory_space<semaphore_mem>>)
          %dma_wait3A = arith.constant 0 : i32
          %dma_wait3A_41 = tpu.memref_slice %arg14[%add3A, %dma_wait3A] : memref<10240x128xf32, #tpu.memory_space<vmem_shared>> -> memref<32x128xf32, #tpu.memory_space<vmem_shared>>
          %dma_wait3A_42 = arith.constant 0 : i32
          %dma_wait3A_43 = tpu.memref_slice %arg14[%add3A, %dma_wait3A_42] : memref<10240x128xf32, #tpu.memory_space<vmem_shared>> -> memref<32x128xf32, #tpu.memory_space<vmem_shared>>
          tpu.wait_dma2 semaphore(%run_scoped3A : memref<!tpu.dma_semaphore, #tpu.memory_space<semaphore_mem>>) src(%dma_wait3A_43 : memref<32x128xf32, #tpu.memory_space<vmem_shared>>) dst(%arg13 : memref<32x128xf32, #tpu.memory_space<vmem>>)
          tpu.yield
        }) : () -> ()
        "tpu.region"() ({
          %run_scoped3A = tpu.sem_alloc : memref<!tpu.dma_semaphore, #tpu.memory_space<semaphore_mem>>
          %dma_start3A = arith.constant 0 : i32
          %dma_start3A_38 = tpu.memref_slice %arg9[%add3A, %dma_start3A] : memref<10240x128xf32, #tpu.memory_space<hbm>> -> memref<32x128xf32, #tpu.memory_space<hbm>>
          %dma_start3A_39 = arith.constant 0 : i32
          %dma_start3A_40 = tpu.memref_slice %arg9[%add3A, %dma_start3A_39] : memref<10240x128xf32, #tpu.memory_space<hbm>> -> memref<32x128xf32, #tpu.memory_space<hbm>>
          tpu.enqueue_dma source(%arg13 : memref<32x128xf32, #tpu.memory_space<vmem>>) target(%dma_start3A_40 : memref<32x128xf32, #tpu.memory_space<hbm>>) target_semaphore(%run_scoped3A : memref<!tpu.dma_semaphore, #tpu.memory_space<semaphore_mem>>)
          %dma_wait3A = arith.constant 0 : i32
          %dma_wait3A_41 = tpu.memref_slice %arg9[%add3A, %dma_wait3A] : memref<10240x128xf32, #tpu.memory_space<hbm>> -> memref<32x128xf32, #tpu.memory_space<hbm>>
          %dma_wait3A_42 = arith.constant 0 : i32
          %dma_wait3A_43 = tpu.memref_slice %arg9[%add3A, %dma_wait3A_42] : memref<10240x128xf32, #tpu.memory_space<hbm>> -> memref<32x128xf32, #tpu.memory_space<hbm>>
          tpu.wait_dma2 semaphore(%run_scoped3A : memref<!tpu.dma_semaphore, #tpu.memory_space<semaphore_mem>>) src(%arg13 : memref<32x128xf32, #tpu.memory_space<vmem>>) dst(%dma_wait3A_43 : memref<32x128xf32, #tpu.memory_space<hbm>>)
          tpu.yield
        }) : () -> ()
      }
      %scan3A_32 = arith.constant 20 : i32
    } else {
    }
    return
  }
}

module attributes {stable_mosaic.version = 14 : i64} {
  func.func @_proj_body(%arg0: memref<10000x32xf32, #tpu.memory_space<vmem>>, %arg1: memref<32x128xf32, #tpu.memory_space<vmem>>, %arg2: memref<128xf32, #tpu.memory_space<vmem>>, %arg3: memref<10000x128xf32, #tpu.memory_space<vmem>>) attributes {dimension_semantics = [], scalar_prefetch = 0 : i64, scratch_operands = 0 : i64, tpu.core_type = #tpu.core_type<tc>} {
    %get3A = arith.constant 0 : index
    %get3A_0 = arith.constant 0 : index
    %get3A_1 = vector.load %arg0[%get3A, %get3A_0] : memref<10000x32xf32, #tpu.memory_space<vmem>>, vector<10000x32xf32>
    %get3A_2 = arith.constant 0 : index
    %get3A_3 = arith.constant 0 : index
    %get3A_4 = vector.load %arg1[%get3A_2, %get3A_3] : memref<32x128xf32, #tpu.memory_space<vmem>>, vector<32x128xf32>
    %dot_general3A = arith.constant dense<0.000000e+00> : vector<10000x128xf32>
    %dot_general3A_5 = tpu.matmul %get3A_1, %get3A_4, %dot_general3A {dimension_numbers = #tpu.dot_dimension_numbers<[1], [0], [0], [1], [0, 0, 1, 1], [], []>, transpose_lhs_hint = false} : vector<10000x32xf32>, vector<32x128xf32>, vector<10000x128xf32> -> vector<10000x128xf32>
    %get3A_6 = arith.constant 0 : index
    %get3A_7 = vector.load %arg2[%get3A_6] : memref<128xf32, #tpu.memory_space<vmem>>, vector<128xf32>
    %broadcast_in_dim3A = vector.shape_cast %get3A_7 : vector<128xf32> to vector<1x128xf32>
    %add3A = vector.broadcast %broadcast_in_dim3A : vector<1x128xf32> to vector<10000x128xf32>
    %add3A_8 = arith.addf %dot_general3A_5, %add3A : vector<10000x128xf32>
    %swap3A = arith.constant 0 : index
    %swap3A_9 = arith.constant 0 : index
    %swap3A_10 = vector.load %arg3[%swap3A, %swap3A_9] : memref<10000x128xf32, #tpu.memory_space<vmem>>, vector<10000x128xf32>
    tpu.vector_store %arg3[%swap3A, %swap3A_9], %add3A_8 {strides = array<i32>} : memref<10000x128xf32, #tpu.memory_space<vmem>>, vector<10000x128xf32>,
    return
  }
}

module attributes {stable_mosaic.version = 14 : i64} {
  func.func @_dense_body(%arg0: memref<10000x128xf32, #tpu.memory_space<vmem>>, %arg1: memref<10000x128xf32, #tpu.memory_space<vmem>>, %arg2: memref<10240x128xf32, #tpu.memory_space<vmem>>, %arg3: memref<10240x128xf32, #tpu.memory_space<vmem>>, %arg4: memref<10240x16xf32, #tpu.memory_space<vmem>>, %arg5: memref<10240x16xf32, #tpu.memory_space<vmem>>, %arg6: memref<128x128xf32, #tpu.memory_space<vmem>>, %arg7: memref<128x128xf32, #tpu.memory_space<vmem>>, %arg8: memref<128xf32, #tpu.memory_space<vmem>>, %arg9: memref<128x128xf32, #tpu.memory_space<vmem>>, %arg10: memref<128x128xf32, #tpu.memory_space<vmem>>, %arg11: memref<128xf32, #tpu.memory_space<vmem>>, %arg12: memref<128xf32, #tpu.memory_space<vmem>>, %arg13: memref<128xf32, #tpu.memory_space<vmem>>, %arg14: memref<128xf32, #tpu.memory_space<vmem>>, %arg15: memref<128xf32, #tpu.memory_space<vmem>>, %arg16: memref<10000x128xf32, #tpu.memory_space<vmem>>, %arg17: memref<10000x128xf32, #tpu.memory_space<vmem>>) attributes {dimension_semantics = [], scalar_prefetch = 0 : i64, scratch_operands = 0 : i64, tpu.core_type = #tpu.core_type<tc>} {
    %get3A = arith.constant 0 : index
    %get3A_0 = arith.constant 0 : index
    %get3A_1 = vector.load %arg4[%get3A, %get3A_0] : memref<10240x16xf32, #tpu.memory_space<vmem>>, vector<10000x1xf32>
    %max3A = arith.constant 1.000000e+00 : f32
    %max3A_2 = vector.broadcast %max3A : f32 to vector<10000x1xf32>
    %max3A_3 = arith.maximumf %get3A_1, %max3A_2 : vector<10000x1xf32>
    %get3A_4 = arith.constant 0 : index
    %get3A_5 = arith.constant 0 : index
    %get3A_6 = vector.load %arg5[%get3A_4, %get3A_5] : memref<10240x16xf32, #tpu.memory_space<vmem>>, vector<10000x1xf32>
    %max3A_7 = arith.constant 1.000000e+00 : f32
    %max3A_8 = vector.broadcast %max3A_7 : f32 to vector<10000x1xf32>
    %max3A_9 = arith.maximumf %get3A_6, %max3A_8 : vector<10000x1xf32>
    %get3A_10 = arith.constant 0 : index
    %get3A_11 = arith.constant 0 : index
    %get3A_12 = vector.load %arg2[%get3A_10, %get3A_11] : memref<10240x128xf32, #tpu.memory_space<vmem>>, vector<10000x128xf32>
    %div3A = vector.broadcast %max3A_3 : vector<10000x1xf32> to vector<10000x128xf32>
    %div3A_13 = arith.divf %get3A_12, %div3A : vector<10000x128xf32>
    %get3A_14 = arith.constant 0 : index
    %get3A_15 = arith.constant 0 : index
    %get3A_16 = vector.load %arg3[%get3A_14, %get3A_15] : memref<10240x128xf32, #tpu.memory_space<vmem>>, vector<10000x128xf32>
    %div3A_17 = vector.broadcast %max3A_9 : vector<10000x1xf32> to vector<10000x128xf32>
    %div3A_18 = arith.divf %get3A_16, %div3A_17 : vector<10000x128xf32>
    %get3A_19 = arith.constant 0 : index
    %get3A_20 = arith.constant 0 : index
    %get3A_21 = vector.load %arg1[%get3A_19, %get3A_20] : memref<10000x128xf32, #tpu.memory_space<vmem>>, vector<10000x128xf32>
    %get3A_22 = arith.constant 0 : index
    %get3A_23 = arith.constant 0 : index
    %get3A_24 = vector.load %arg6[%get3A_22, %get3A_23] : memref<128x128xf32, #tpu.memory_space<vmem>>, vector<128x128xf32>
    %dot_general3A = arith.constant dense<0.000000e+00> : vector<10000x128xf32>
    %dot_general3A_25 = tpu.matmul %get3A_21, %get3A_24, %dot_general3A {dimension_numbers = #tpu.dot_dimension_numbers<[1], [0], [0], [1], [0, 0, 1, 1], [], []>, transpose_lhs_hint = false} : vector<10000x128xf32>, vector<128x128xf32>, vector<10000x128xf32> -> vector<10000x128xf32>
    %get3A_26 = arith.constant 0 : index
    %get3A_27 = arith.constant 0 : index
    %get3A_28 = vector.load %arg7[%get3A_26, %get3A_27] : memref<128x128xf32, #tpu.memory_space<vmem>>, vector<128x128xf32>
    %dot_general3A_29 = arith.constant dense<0.000000e+00> : vector<10000x128xf32>
    %dot_general3A_30 = tpu.matmul %div3A_13, %get3A_28, %dot_general3A_29 {dimension_numbers = #tpu.dot_dimension_numbers<[1], [0], [0], [1], [0, 0, 1, 1], [], []>, transpose_lhs_hint = false} : vector<10000x128xf32>, vector<128x128xf32>, vector<10000x128xf32> -> vector<10000x128xf32>
    %add3A = arith.addf %dot_general3A_25, %dot_general3A_30 : vector<10000x128xf32>
    %get3A_31 = arith.constant 0 : index
    %get3A_32 = vector.load %arg8[%get3A_31] : memref<128xf32, #tpu.memory_space<vmem>>, vector<128xf32>
    %broadcast_in_dim3A = vector.shape_cast %get3A_32 : vector<128xf32> to vector<1x128xf32>
    %add3A_33 = vector.broadcast %broadcast_in_dim3A : vector<1x128xf32> to vector<10000x128xf32>
    %add3A_34 = arith.addf %add3A, %add3A_33 : vector<10000x128xf32>
    %get3A_35 = arith.constant 0 : index
    %get3A_36 = arith.constant 0 : index
    %get3A_37 = vector.load %arg0[%get3A_35, %get3A_36] : memref<10000x128xf32, #tpu.memory_space<vmem>>, vector<10000x128xf32>
    %get3A_38 = arith.constant 0 : index
    %get3A_39 = arith.constant 0 : index
    %get3A_40 = vector.load %arg9[%get3A_38, %get3A_39] : memref<128x128xf32, #tpu.memory_space<vmem>>, vector<128x128xf32>
    %dot_general3A_41 = arith.constant dense<0.000000e+00> : vector<10000x128xf32>
    %dot_general3A_42 = tpu.matmul %get3A_37, %get3A_40, %dot_general3A_41 {dimension_numbers = #tpu.dot_dimension_numbers<[1], [0], [0], [1], [0, 0, 1, 1], [], []>, transpose_lhs_hint = false} : vector<10000x128xf32>, vector<128x128xf32>, vector<10000x128xf32> -> vector<10000x128xf32>
    %get3A_43 = arith.constant 0 : index
    %get3A_44 = arith.constant 0 : index
    %get3A_45 = vector.load %arg10[%get3A_43, %get3A_44] : memref<128x128xf32, #tpu.memory_space<vmem>>, vector<128x128xf32>
    %dot_general3A_46 = arith.constant dense<0.000000e+00> : vector<10000x128xf32>
    %dot_general3A_47 = tpu.matmul %div3A_18, %get3A_45, %dot_general3A_46 {dimension_numbers = #tpu.dot_dimension_numbers<[1], [0], [0], [1], [0, 0, 1, 1], [], []>, transpose_lhs_hint = false} : vector<10000x128xf32>, vector<128x128xf32>, vector<10000x128xf32> -> vector<10000x128xf32>
    %add3A_48 = arith.addf %dot_general3A_42, %dot_general3A_47 : vector<10000x128xf32>
    %get3A_49 = arith.constant 0 : index
    %get3A_50 = vector.load %arg11[%get3A_49] : memref<128xf32, #tpu.memory_space<vmem>>, vector<128xf32>
    %broadcast_in_dim3A_51 = vector.shape_cast %get3A_50 : vector<128xf32> to vector<1x128xf32>
    %add3A_52 = vector.broadcast %broadcast_in_dim3A_51 : vector<1x128xf32> to vector<10000x128xf32>
    %add3A_53 = arith.addf %add3A_48, %add3A_52 : vector<10000x128xf32>
    %get3A_54 = arith.constant 0 : index
    %get3A_55 = arith.constant 0 : index
    %get3A_56 = vector.load %arg1[%get3A_54, %get3A_55] : memref<10000x128xf32, #tpu.memory_space<vmem>>, vector<10000x128xf32>
    %get3A_57 = arith.constant 0 : index
    %get3A_58 = vector.load %arg12[%get3A_57] : memref<128xf32, #tpu.memory_space<vmem>>, vector<128xf32>
    %get3A_59 = arith.constant 0 : index
    %get3A_60 = vector.load %arg13[%get3A_59] : memref<128xf32, #tpu.memory_space<vmem>>, vector<128xf32>
    %reduce_sum3A = arith.constant dense<0.000000e+00> : vector<128xf32>
    %reduce_sum3A_61 = vector.multi_reduction <add>, %add3A_34, %reduce_sum3A [0] : vector<10000x128xf32> to vector<128xf32>
    %broadcast_in_dim3A_62 = vector.shape_cast %reduce_sum3A_61 : vector<128xf32> to vector<1x128xf32>
    %div3A_63 = arith.constant 1.000000e+04 : f32
    %div3A_64 = vector.broadcast %div3A_63 : f32 to vector<1x128xf32>
    %div3A_65 = arith.divf %broadcast_in_dim3A_62, %div3A_64 : vector<1x128xf32>
    %sub3A = vector.broadcast %div3A_65 : vector<1x128xf32> to vector<10000x128xf32>
    %sub3A_66 = arith.subf %add3A_34, %sub3A : vector<10000x128xf32>
    %integer_pow3A = arith.mulf %sub3A_66, %sub3A_66 : vector<10000x128xf32>
    %reduce_sum3A_67 = arith.constant dense<0.000000e+00> : vector<128xf32>
    %reduce_sum3A_68 = vector.multi_reduction <add>, %integer_pow3A, %reduce_sum3A_67 [0] : vector<10000x128xf32> to vector<128xf32>
    %broadcast_in_dim3A_69 = vector.shape_cast %reduce_sum3A_68 : vector<128xf32> to vector<1x128xf32>
    %div3A_70 = arith.constant 1.000000e+04 : f32
    %div3A_71 = vector.broadcast %div3A_70 : f32 to vector<1x128xf32>
    %div3A_72 = arith.divf %broadcast_in_dim3A_69, %div3A_71 : vector<1x128xf32>
    %sub3A_73 = vector.broadcast %div3A_65 : vector<1x128xf32> to vector<10000x128xf32>
    %sub3A_74 = arith.subf %add3A_34, %sub3A_73 : vector<10000x128xf32>
    %add3A_75 = arith.constant 9.99999974E-6 : f32
    %add3A_76 = vector.broadcast %add3A_75 : f32 to vector<1x128xf32>
    %add3A_77 = arith.addf %div3A_72, %add3A_76 : vector<1x128xf32>
    %rsqrt3A = math.rsqrt %add3A_77 : vector<1x128xf32>
    %mul3A = vector.broadcast %rsqrt3A : vector<1x128xf32> to vector<10000x128xf32>
    %mul3A_78 = arith.mulf %sub3A_74, %mul3A : vector<10000x128xf32>
    %broadcast_in_dim3A_79 = vector.shape_cast %get3A_58 : vector<128xf32> to vector<1x128xf32>
    %mul3A_80 = vector.broadcast %broadcast_in_dim3A_79 : vector<1x128xf32> to vector<10000x128xf32>
    %mul3A_81 = arith.mulf %mul3A_78, %mul3A_80 : vector<10000x128xf32>
    %broadcast_in_dim3A_82 = vector.shape_cast %get3A_60 : vector<128xf32> to vector<1x128xf32>
    %add3A_83 = vector.broadcast %broadcast_in_dim3A_82 : vector<1x128xf32> to vector<10000x128xf32>
    %add3A_84 = arith.addf %mul3A_81, %add3A_83 : vector<10000x128xf32>
    %gt3A = arith.constant 0.000000e+00 : f32
    %gt3A_85 = vector.broadcast %gt3A : f32 to vector<10000x128xf32>
    %gt3A_86 = arith.cmpf ogt, %add3A_84, %gt3A_85 : vector<10000x128xf32>
    %mul3A_87 = arith.constant 1.000000e-01 : f32
    %mul3A_88 = vector.broadcast %mul3A_87 : f32 to vector<10000x128xf32>
    %mul3A_89 = arith.mulf %mul3A_88, %add3A_84 : vector<10000x128xf32>
    %select_n3A = arith.select %gt3A_86, %add3A_84, %mul3A_89 : vector<10000x128xi1>, vector<10000x128xf32>
    %add3A_90 = arith.addf %get3A_56, %select_n3A : vector<10000x128xf32>
    %swap3A = arith.constant 0 : index
    %swap3A_91 = arith.constant 0 : index
    %swap3A_92 = vector.load %arg17[%swap3A, %swap3A_91] : memref<10000x128xf32, #tpu.memory_space<vmem>>, vector<10000x128xf32>
    tpu.vector_store %arg17[%swap3A, %swap3A_91], %add3A_90 {strides = array<i32>} : memref<10000x128xf32, #tpu.memory_space<vmem>>, vector<10000x128xf32>,
    %get3A_93 = arith.constant 0 : index
    %get3A_94 = arith.constant 0 : index
    %get3A_95 = vector.load %arg0[%get3A_93, %get3A_94] : memref<10000x128xf32, #tpu.memory_space<vmem>>, vector<10000x128xf32>
    %get3A_96 = arith.constant 0 : index
    %get3A_97 = vector.load %arg14[%get3A_96] : memref<128xf32, #tpu.memory_space<vmem>>, vector<128xf32>
    %get3A_98 = arith.constant 0 : index
    %get3A_99 = vector.load %arg15[%get3A_98] : memref<128xf32, #tpu.memory_space<vmem>>, vector<128xf32>
    %reduce_sum3A_100 = arith.constant dense<0.000000e+00> : vector<128xf32>
    %reduce_sum3A_101 = vector.multi_reduction <add>, %add3A_53, %reduce_sum3A_100 [0] : vector<10000x128xf32> to vector<128xf32>
    %broadcast_in_dim3A_102 = vector.shape_cast %reduce_sum3A_101 : vector<128xf32> to vector<1x128xf32>
    %div3A_103 = arith.constant 1.000000e+04 : f32
    %div3A_104 = vector.broadcast %div3A_103 : f32 to vector<1x128xf32>
    %div3A_105 = arith.divf %broadcast_in_dim3A_102, %div3A_104 : vector<1x128xf32>
    %sub3A_106 = vector.broadcast %div3A_105 : vector<1x128xf32> to vector<10000x128xf32>
    %sub3A_107 = arith.subf %add3A_53, %sub3A_106 : vector<10000x128xf32>
    %integer_pow3A_108 = arith.mulf %sub3A_107, %sub3A_107 : vector<10000x128xf32>
    %reduce_sum3A_109 = arith.constant dense<0.000000e+00> : vector<128xf32>
    %reduce_sum3A_110 = vector.multi_reduction <add>, %integer_pow3A_108, %reduce_sum3A_109 [0] : vector<10000x128xf32> to vector<128xf32>
    %broadcast_in_dim3A_111 = vector.shape_cast %reduce_sum3A_110 : vector<128xf32> to vector<1x128xf32>
    %div3A_112 = arith.constant 1.000000e+04 : f32
    %div3A_113 = vector.broadcast %div3A_112 : f32 to vector<1x128xf32>
    %div3A_114 = arith.divf %broadcast_in_dim3A_111, %div3A_113 : vector<1x128xf32>
    %sub3A_115 = vector.broadcast %div3A_105 : vector<1x128xf32> to vector<10000x128xf32>
    %sub3A_116 = arith.subf %add3A_53, %sub3A_115 : vector<10000x128xf32>
    %add3A_117 = arith.constant 9.99999974E-6 : f32
    %add3A_118 = vector.broadcast %add3A_117 : f32 to vector<1x128xf32>
    %add3A_119 = arith.addf %div3A_114, %add3A_118 : vector<1x128xf32>
    %rsqrt3A_120 = math.rsqrt %add3A_119 : vector<1x128xf32>
    %mul3A_121 = vector.broadcast %rsqrt3A_120 : vector<1x128xf32> to vector<10000x128xf32>
    %mul3A_122 = arith.mulf %sub3A_116, %mul3A_121 : vector<10000x128xf32>
    %broadcast_in_dim3A_123 = vector.shape_cast %get3A_97 : vector<128xf32> to vector<1x128xf32>
    %mul3A_124 = vector.broadcast %broadcast_in_dim3A_123 : vector<1x128xf32> to vector<10000x128xf32>
    %mul3A_125 = arith.mulf %mul3A_122, %mul3A_124 : vector<10000x128xf32>
    %broadcast_in_dim3A_126 = vector.shape_cast %get3A_99 : vector<128xf32> to vector<1x128xf32>
    %add3A_127 = vector.broadcast %broadcast_in_dim3A_126 : vector<1x128xf32> to vector<10000x128xf32>
    %add3A_128 = arith.addf %mul3A_125, %add3A_127 : vector<10000x128xf32>
    %gt3A_129 = arith.constant 0.000000e+00 : f32
    %gt3A_130 = vector.broadcast %gt3A_129 : f32 to vector<10000x128xf32>
    %gt3A_131 = arith.cmpf ogt, %add3A_128, %gt3A_130 : vector<10000x128xf32>
    %mul3A_132 = arith.constant 1.000000e-01 : f32
    %mul3A_133 = vector.broadcast %mul3A_132 : f32 to vector<10000x128xf32>
    %mul3A_134 = arith.mulf %mul3A_133, %add3A_128 : vector<10000x128xf32>
    %select_n3A_135 = arith.select %gt3A_131, %add3A_128, %mul3A_134 : vector<10000x128xi1>, vector<10000x128xf32>
    %add3A_136 = arith.addf %get3A_95, %select_n3A_135 : vector<10000x128xf32>
    %swap3A_137 = arith.constant 0 : index
    %swap3A_138 = arith.constant 0 : index
    %swap3A_139 = vector.load %arg16[%swap3A_137, %swap3A_138] : memref<10000x128xf32, #tpu.memory_space<vmem>>, vector<10000x128xf32>
    tpu.vector_store %arg16[%swap3A_137, %swap3A_138], %add3A_136 {strides = array<i32>} : memref<10000x128xf32, #tpu.memory_space<vmem>>, vector<10000x128xf32>,
    return
  }
}

</mosaic_0001>

<sc_bundles>
// kernel: closed_call.23.cloned.1.call-start
scs
__scs_entry_jumppad:
0x0: {  	(pc) =	sbr.rel $0x88, $3  }
0x1: {  	(tag) =	ssettag $0x0;
	lr =	simm.s32 $0x1  }
0x2: {  	[smem:$0x3F92] =	sst lr;
	_ =	strace $0xD0000000  }
0x3: {  	_ = 	snop  }
0x4: {  	_ = 	snop  }
0x5: {  	_ = 	snop  }
0x6: {  	_ = 	snop  }
0x7: {  	_ = 	snop  }
__scs_overlays_trampoline_lowered:
0x8: {  	[smem:$0x3FA1] =	sst s0  }
0x9: {  	[smem:$0x3FA2] =	sst s1  }
0xa: {  	[smem:$0x3FA3] =	sst s2  }
0xb: {  	[smem:$0x3FA4] =	sst s3  }
0xc: {  	[smem:$0x3FA5] =	sst s4  }
0xd: {  	[smem:$0x3FA6] =	sst s5  }
0xe: {  	[smem:$0x3FA7] =	sst s6  }
0xf: {  	[smem:$0x3FA8] =	sst s7  }
0x10: {  	[smem:$0x3FA9] =	sst s8  }
0x11: {  	[smem:$0x3FAA] =	sst s9;
	s0 =	simm.s32 @!p0 $0x0  }
0x12: {  	s1 =	sld [smem:$0x3F90];
	s0 =	simm.s32 @p0 $0x1  }
0x13: {  	[smem:$0x3FAB] =	sst s0;
	s0 =	simm.s32 @!p1 $0x0  }
0x14: {  	s2 =	sld [smem:$0x3F8F];
	s0 =	simm.s32 @p1 $0x1  }
0x15: {  	[smem:$0x3FAC] =	sst s0;
	s0 =	simm.s32 @!p2 $0x0  }
0x16: {  	s3 =	sld [smem:$0x3FDB];
	s0 =	simm.s32 @p2 $0x1  }
0x17: {  	s4 =	simm.s32 $0x1BF5;
	[smem:$0x3FAE] =	sst s0  }
0x18: {  	s0 =	sld [smem:$0x3F91];
	_ =	swait.ge [sflag:s4], $0x0  }
0x19: {  	s7 =	sld [smem:$0x3F92]  }
0x1a: {  	s8 =	sadd.s32 $0xFFFFE003, lr  }
0x1b: {  	s9 =	sadd.s32 $0xFFFFFEF7, lr;
	s5 =	simm.s32 $0xFFFFFFFF;
	p2 =	slt.u32 s8, $0xFFFFF086  }
0x1c: {  	p1 =	slt.u32 s9, $0xF7A;
	s5 =	simm.s32 @!p2 $0x0  }
0x1d: {  	s5 =	simm.s32 @p1 $0x1;
	p0 =	seq.s32 s7, s2  }
0x1e: {  	s7 =	smul.u32 @!p0 $0xF7A, s2;
	p2 =	seq.s32 @!p0 s5, $0x0  }
0x1f: {  	s9 =	smul.u32 $0xF7A, s1;
	s8 =	simm.s32 @!p0 $0x1BF5;
	p2 =	por !p2, p0  }
0x20: {  	[sflag:s8] =	ssyncset.s32 @!p0 $0xFFFFF086;
	s6 =	sadd.s32 @!p0 s3, s7;
	s7 =	simm.s32 @!p0 $0x108  }
0x21: {  	s3 =	sadd.s32 s3, s9;
	s6 =	sadd.s32 @!p0 $0x88, s6;
	s7 =	simm.s32 @p2 $0x1082  }
0x22: {  	[simem:s7], [sflag:s8] =	dma.local @!p0 [hbm:s6], $0xF7A  }
0x23: {  	s9 =	sor.u32 $0xD0000000, s2;
	s6 =	simm.s32 $0x108;
	_ =	swait.ge @!p0 [sflag:s8], $0x0  }
0x24: {  	s3 =	sadd.s32 $0x88, s3;
	s6 =	simm.s32 @!p1 $0x1082;
	[sflag:s4] =	ssyncset.s32 $0xFFFFF086  }
0x25: {  	[simem:s6], [sflag:s4] =	dma.local [hbm:s3], $0xF7A  }
0x26: {  	[smem:$0x3F92] =	sst s1;
	(tag) =	ssettag s2;
	_ =	strace s9  }
0x27: {  	s1 =	sld [smem:$0x3FA2]  }
0x28: {  	s2 =	sld [smem:$0x3FA3]  }
0x29: {  	s4 =	sld [smem:$0x3FA5]  }
0x2a: {  	p0 =	seq.s32 s5, $0x0;
	s5 =	sld [smem:$0x3FA6]  }
0x2b: {  	s6 =	sld [smem:$0x3FA7]  }
0x2c: {  	s7 =	sld [smem:$0x3FA8]  }
0x2d: {  	s3 =	simm.s32 $0x108;
	s8 =	sld [smem:$0x3FA9]  }
0x2e: {  	s3 =	simm.s32 @!p0 $0x1082;
	s9 =	sld [smem:$0x3FAA]  }
0x2f: {  	lr =	sadd.s32 s0, s3;
	s0 =	sld [smem:$0x3FA1]  }
0x30: {  	s3 =	sld [smem:$0x3FA4]  }
0x31: {  	[smem:$0x3FAD] =	sst s10  }
0x32: {  	s10 =	sld [smem:$0x3FAB];
	_ =	sdelay $0x3  }
0x33: {  	p0 =	seq.s32 s10, $0x1;
	s10 =	sld [smem:$0x3FAD];
	_ =	sdelay $0x3  }
0x34: {  	[smem:$0x3FAD] =	sst s10  }
0x35: {  	s10 =	sld [smem:$0x3FAC];
	_ =	sdelay $0x3  }
0x36: {  	p1 =	seq.s32 s10, $0x1;
	s10 =	sld [smem:$0x3FAD];
	_ =	sdelay $0x3  }
0x37: {  	[smem:$0x3FAD] =	sst s10  }
0x38: {  	s10 =	sld [smem:$0x3FAE]  }
0x39: {  	_ = 	snop;
	(pc) =	sbr.ind lr, $3  }
0x3a: {  	_ = 	snop  }
0x3b: {  	_ = 	snop  }
0x3c: {  	p2 =	seq.s32 s10, $0x1;
	s10 =	sld [smem:$0x3FAD]  }
0x3d: {  	_ =	shalt  }
0x3e: {  	_ =	shalt  }
0x3f: {  	_ =	shalt  }
0x40: {  	_ =	shalt  }
0x41: {  	_ =	shalt  }
0x42: {  	_ =	shalt  }
0x43: {  	_ =	shalt  }
0x44: {  	_ =	shalt  }
0x45: {  	_ =	shalt  }
0x46: {  	_ =	shalt  }
0x47: {  	_ =	shalt  }
0x48: {  	_ =	shalt  }
0x49: {  	_ =	shalt  }
0x4a: {  	_ =	shalt  }
0x4b: {  	_ =	shalt  }
0x4c: {  	_ =	shalt  }
0x4d: {  	_ =	shalt  }
0x4e: {  	_ =	shalt  }
0x4f: {  	_ =	shalt  }
0x50: {  	_ =	shalt  }
0x51: {  	_ =	shalt  }
0x52: {  	_ =	shalt  }
0x53: {  	_ =	shalt  }
0x54: {  	_ =	shalt  }
0x55: {  	_ =	shalt  }
0x56: {  	_ =	shalt  }
0x57: {  	_ =	shalt  }
0x58: {  	_ =	shalt  }
0x59: {  	_ =	shalt  }
0x5a: {  	_ =	shalt  }
0x5b: {  	_ =	shalt  }
0x5c: {  	_ =	shalt  }
0x5d: {  	_ =	shalt  }
0x5e: {  	_ =	shalt  }
0x5f: {  	_ =	shalt  }
0x60: {  	_ =	shalt  }
0x61: {  	_ =	shalt  }
0x62: {  	_ =	shalt  }
0x63: {  	_ =	shalt  }
0x64: {  	_ =	shalt  }
0x65: {  	_ =	shalt  }
0x66: {  	_ =	shalt  }
0x67: {  	_ =	shalt  }
0x68: {  	_ =	shalt  }
0x69: {  	_ =	shalt  }
0x6a: {  	_ =	shalt  }
0x6b: {  	_ =	shalt  }
0x6c: {  	_ =	shalt  }
0x6d: {  	_ =	shalt  }
0x6e: {  	_ =	shalt  }
0x6f: {  	_ =	shalt  }
0x70: {  	_ =	shalt  }
0x71: {  	_ =	shalt  }
0x72: {  	_ =	shalt  }
0x73: {  	_ =	shalt  }
0x74: {  	_ =	shalt  }
0x75: {  	_ =	shalt  }
0x76: {  	_ =	shalt  }
0x77: {  	_ =	shalt  }
0x78: {  	_ =	shalt  }
0x79: {  	_ =	shalt  }
0x7a: {  	_ =	shalt  }
0x7b: {  	_ =	shalt  }
0x7c: {  	_ =	shalt  }
0x7d: {  	_ =	shalt  }
0x7e: {  	_ =	shalt  }
0x7f: {  	_ =	shalt  }
0x80: {  	_ =	shalt  }
0x81: {  	_ =	shalt  }
0x82: {  	_ =	shalt  }
0x83: {  	_ =	shalt  }
0x84: {  	_ =	shalt  }
0x85: {  	_ =	shalt  }
0x86: {  	_ =	shalt  }
0x87: {  	_ =	shalt  }
.Lfunc_end0:
.L_simem_size_0:
called_computation_lowered:
.L_overlay_start_0:
0x88: {  	s2 =	sld [smem:$0x3FD9]  }
0x89: {  	s3 =	sld [smem:$0x3FFE];
	_ =	sdelay $0x1  }
0x8a: {  	s1 =	srdreg.scid  }
0x8b: {  	s0 =	sand.u32 $0x1, s1  }
0x8c: {  	s16 =	sshll.u32 s0, $0xA;
	s2 =	sadd.s32 s3, s2  }
0x8d: {  	s2 =	sadd.s32 s2, s16  }
0x8e: {  	[smem:$0x3FB9] =	sst s2  }
0x8f: {  	_ = 	snop  }
0x90: {  	(tm) =	ssettm $0x1  }
0x91: {  	s17 =	sld [smem:$0x3FFB];
	_ =	sdelay $0x3  }
0x92: {  	_ =	strace s17  }
0x93: {  	s2 =	sld [smem:$0x3FFC];
	_ =	sdelay $0x3  }
0x94: {  	_ =	strace s2  }
0x95: {  	s2 =	sld [smem:$0x3FFD];
	_ =	sdelay $0x3  }
0x96: {  	_ =	strace s2  }
0x97: {  	_ =	strace $0x8FFFFFFF  }
0x98: {  	s18 =	sld [smem:$0x3FDB];
	_ =	sdelay $0x1  }
0x99: {  	s19 =	simm.s32 $_scs_section_size  }
0x9a: {  	s4 =	simm.s32 $_size__tile_overlayer_lowered;
	s5 =	simm.s32 $_tile_overlayer_lowered  }
0x9b: {  	s22 =	simm.s32 $0x1BFF;
	s21 =	sshll.u32 s5, $0x1;
	s2 =	sadd.s32 s19, s18  }
0x9c: {  	s6 =	simm.s32 $0x0;
	s20 =	sshll.u32 s4, $0x1;
	s4 =	sadd.s32 s21, s2  }
0x9d: {  	[timem:s6], [sflag:s22] =	dma.local [hbm:s4], s20  }
0x9e: {  	_ =	swait.ge [sflag:s22], s20  }
0x9f: {  	s3 =	ssub.s32 $0x0, s20;
	[sflag:s22] =	ssyncset.done $0x0  }
0xa0: {  	[sflag:s22] =	ssyncadd.s32 s3;
	_ =	sdelay $0x1  }
0xa1: {  	s23 =	simm.s32 $0x1B8B  }
0xa2: {  	_ =	swait.ge [sflag:s23], $0x1  }
0xa3: {  	[sflag:s23] =	ssyncset.done $0x0  }
0xa4: {  	s25 =	simm.s32 $0x1B8E;
	s24 =	sld [smem:$0x3FFE];
	[sflag:s23] =	ssyncadd.s32 $0xFFFFFFFF  }
0xa5: {  	s26 =	simm.s32 $execute0_lowered;
	[smem:$0x3FD2] =	sst s25  }
0xa6: {  	s4 =	sshll.u32 s26, $0x1;
	_ =	strace $0x80000046;
	[dreg:$0x1] =	wrdreg $0xFFFFFFFF  }
0xa7: {  	s28 =	simm.s32 $_size_execute0_lowered;
	s2 =	sadd.s32 s2, s4;
	[dreg:$0x0] =	wrdreg $0x0  }
0xa8: {  	s4 =	sshll.u32 s28, $0x1;
	[dreg:$0x2] =	wrdreg s2  }
0xa9: {  	[dreg:$0x3] =	wrdreg s4  }
0xaa: {  	[dreg:$0x4] =	wrdreg $0xC0  }
0xab: {  	_ =	task [dreg:s6], $0x5FFFF  }
0xac: {  	[dreg:$0x1] =	wrdreg $0xFFFFFFFF  }
0xad: {  	[dreg:$0x0] =	wrdreg $0x60  }
0xae: {  	[dreg:$0x2] =	wrdreg s24  }
0xaf: {  	[dreg:$0x3] =	wrdreg $0x51000  }
0xb0: {  	[dreg:$0x4] =	wrdreg $0x9  }
0xb1: {  	_ =	task.clear_ibuf [dreg:s6], $0x5FFFF;
	_ =	strace $0x90000046  }
0xb2: {  	s29 =	simm.s32 $0x9;
	_ =	strace $0x80000048  }
0xb3: {  	_ =	swait.ge [sflag:s29], $0x1  }
0xb4: {  	[sflag:s29] =	ssyncadd.s32 $0xFFFFFFFF  }
0xb5: {  	_ =	strace $0x90000048  }
0xb6: {  	_ =	sfence  }
0xb7: {  	s30 =	sld [smem:$0x0];
	_ =	sdelay $0x2  }
0xb8: {  	s31 =	sshll.u32 s1, $0xD;
	s1 =	sshrl.u32 s1, $0x2  }
0xb9: {  	s3 =	sand.u32 $0x4000, s31;
	s1 =	sadd.s32 s1, s30  }
0xba: {  	s0 =	sor.u32 s3, s0;
	s1 =	sshll.u32 s1, $0x11  }
0xbb: {  	s0 =	sor.u32 s1, s0  }
0xbc: {  	s0 =	sadd.s32 $0x8F2B, s0  }
0xbd: {  	[sflag:s0] =	ssyncadd.remote.s32 $0x1  }
0xbe: {  	_ =	sfence.sel $0xFFFF  }
0xbf: {  	[dreg:$0x0] =	wrdreg $0xFFFFFFFF;
	(pc) =	sbr.abs _section_cstart, $3  }
0xc0: {  	[dreg:$0x1] =	wrdreg $0xFFFFFFFF  }
0xc1: {  	_ =	task.clear_ibuf [dreg:s6], $0x2FFFF;
	_ =	strace $0x9FFFFFFF  }
0xc2: {  	(tm) =	ssettm $0x7FFFFFFF  }
0xc3: {  	_ =	shalt  }
tec
execute0_lowered:
.L_overlay_start_1:
0x0: {  	(tag) =	ssettag $0x1  }
0x1: {  	s0 =	rddreg [dreg:$0x0]  }
0x2: {  	s2 =	rddreg [dreg:$0x1]  }
0x3: {  	s3 =	simm.s32 $0x0;
	s8 =	stileid.u32;
	s5 =	srdreg.scid  }
0x4: {  	s11 =	simm.s32 $0x1;
	s12 =	simm.s32 $0x0;
	[smem:$0x7FF] =	sst s3  }
0x5: {  	s1 =	smul.u32 $0xA00, s8;
	s4 =	sadd.s32 $0x7CA00, s0;
	s6 =	sand.u32 $0x1, s5  }
0x6: {  	s7 =	smul.u32 $0x50000, s8;
	s5 =	sadd.s32 $0x55800, s0;
	s9 =	ssub.s32 $0x2, s6  }
0x7: {  	s8 =	smul.u32 $0x2800, s8;
	_ =	strace $0x80000047;
	s10 =	sshrl.u32 s9, $0x1  }
0x8: {  	p0 =	seq.s32 s6, $0x1;
	s7 =	sshrl.u32 s7, $0x2;
	s15 =	ssub.s32 s9, s10  }
0x9: {  	s1 =	sadd.s32 s1, s0;
	s14 =	sadd.s32 s7, s2;
	s16 =	smax.u32 s15, $0x1  }
0xa: {  	s0 =	sadd.s32 s8, s0;
	s17 =	sadd.s32 $0x1000, s14;
	[dreg:$0x3] =	wrdreg s16  }
0xb: {  	s8 =	simm.s32 $0x2;
	s18 =	sadd.s32 $0x2000, s14;
	[dreg:$0x4] =	wrdreg s17  }
0xc: {  	s7 =	simm.s32 $0x4100;
	s19 =	sadd.s32 $0x3000, s14;
	[dreg:$0x5] =	wrdreg s18  }
0xd: {  	s9 =	simm.s32 $0x80;
	s20 =	sadd.s32 $0x4000, s14;
	[dreg:$0x6] =	wrdreg s19  }
0xe: {  	s10 =	simm.s32 $0x100;
	s21 =	sadd.s32 $0x5000, s14;
	[dreg:$0x7] =	wrdreg s20  }
0xf: {  	s22 =	sadd.s32 $0x6000, s14;
	s23 =	sadd.s32 $0x7000, s14;
	[dreg:$0x8] =	wrdreg s21  }
0x10: {  	s24 =	sadd.s32 $0x8000, s14;
	s25 =	sadd.s32 $0x9000, s14;
	[dreg:$0x9] =	wrdreg s22  }
0x11: {  	s26 =	sadd.s32 $0xA000, s14;
	s28 =	sadd.s32 $0xE000, s14;
	[dreg:$0xa] =	wrdreg s23  }
0x12: {  	s29 =	sadd.s32 $0xF000, s14;
	s30 =	sadd.s32 $0x10000, s14;
	[dreg:$0xb] =	wrdreg s24  }
.Ltmp0:
0x13: {  	s31 =	sadd.s32 $0x11000, s14;
	[dreg:$0xc] =	wrdreg s25;
	(pc) =	sbr.rel .LBB2_1-.Ltmp0, $4  }
0x14: {  	[dreg:$0xd] =	wrdreg s26;
	s18 =	sadd.s32 $0xB000, s14;
	s19 =	sadd.s32 $0xC000, s14  }
0x15: {  	s20 =	sadd.s32 $0x2D400, s1;
	s21 =	sadd.s32 $0x41400, s1;
	s22 =	sadd.s32 $0xA3C00, s0  }
0x16: {  	s23 =	sadd.s32 $0x4B400, s1;
	s24 =	sadd.s32 $0x37400, s1;
	s25 =	sadd.s32 $0xCBC00, s0  }
0x17: {  	v0 =	vimm.f32 $0.0e+00;
	s26 =	sadd.s32 $0xD000, s14;
	s0 =	sadd.s32 $0x12000, s14;
	s1 =	sadd.s32 $0x13000, s14  }
.LBB2_8:
0x18: {  	[sflag:s8] =	ssyncadd.s32 $0xFFFFF000  }
.LBB2_14:
0x19: {  	s12 =	sadd.s32 $0x1, s12;
	s6 =	rddreg [dreg:$0x3]  }
0x1a: {  	p1 =	sne.s32 s12, s6  }
.Ltmp1:
0x1b: {  	_ = 	snop;
	(pc) =	sbr.rel @!p1 .LBB2_15-.Ltmp1, $1  }
0x1c: {  	_ =	sdelay $0x3  }
.LBB2_1:
0x1d: {  	s13 =	simm.s32 $0x0;
	s6 =	simm.s32 $0x200  }
.LBB2_2:
0x1e: {  	p1 =	sne.s32 s6, $0x3E00;
	[tilespmem:s13+$0x4170] =	vst v0  }
0x1f: {  	[tilespmem:s13+$0x4100] =	vst v0  }
0x20: {  	[tilespmem:s13+$0x4110] =	vst v0  }
.Ltmp2:
0x21: {  	[tilespmem:s13+$0x4120] =	vst v0;
	(pc) =	sbr.rel @p1 .LBB2_2-.Ltmp2, $4  }
0x22: {  	[tilespmem:s13+$0x4130] =	vst v0  }
0x23: {  	[tilespmem:s13+$0x4140] =	vst v0  }
0x24: {  	[tilespmem:s13+$0x4150] =	vst v0  }
0x25: {  	[tilespmem:s13+$0x4160] =	vst v0;
	s13 =	sshra.s32 s6, $0x2;
	s6 =	sadd.s32 $0x200, s6  }
0x26: {  	[tilespmem:s13+$0x4170] =	vst v0  }
0x27: {  	[tilespmem:s13+$0x4100] =	vst v0  }
0x28: {  	[tilespmem:s13+$0x4110] =	vst v0  }
0x29: {  	[tilespmem:s13+$0x4120] =	vst v0  }
0x2a: {  	[tilespmem:s13+$0x4130] =	vst v0  }
0x2b: {  	[tilespmem:s13+$0x4140] =	vst v0  }
0x2c: {  	[tilespmem:s13+$0x4150] =	vst v0  }
0x2d: {  	[tilespmem:s13+$0x4160] =	vst v0  }
0x2e: {  	[spmem:s14] =	stream.linear.scatter [tilespmem:s7], [sflag:$0x2], $0x1000, $0x38;
	[tilespmem:$0x19100] =	vst v63  }
0x2f: {  	_ =	swait.ge [sflag:s8], $0x1000  }
0x30: {  	[sflag:s8] =	ssyncset.done $0x0  }
0x31: {  	s6 =	rddreg [dreg:$0x4];
	[sflag:s8] =	ssyncadd.s32 $0xFFFFF000  }
0x32: {  	[spmem:s6] =	stream.linear.scatter [tilespmem:s7], [sflag:$0x2], $0x1000, $0x38;
	[tilespmem:$0x19100] =	vst v63  }
0x33: {  	_ =	swait.ge [sflag:s8], $0x1000  }
0x34: {  	[sflag:s8] =	ssyncset.done $0x0  }
0x35: {  	s17 =	rddreg [dreg:$0x5];
	[sflag:s8] =	ssyncadd.s32 $0xFFFFF000  }
0x36: {  	[spmem:s17] =	stream.linear.scatter [tilespmem:s7], [sflag:$0x2], $0x1000, $0x38;
	[tilespmem:$0x19100] =	vst v63  }
0x37: {  	_ =	swait.ge [sflag:s8], $0x1000  }
0x38: {  	[sflag:s8] =	ssyncset.done $0x0  }
0x39: {  	s13 =	rddreg [dreg:$0x6];
	[sflag:s8] =	ssyncadd.s32 $0xFFFFF000  }
0x3a: {  	[spmem:s13] =	stream.linear.scatter [tilespmem:s7], [sflag:$0x2], $0x1000, $0x38;
	[tilespmem:$0x19100] =	vst v63  }
0x3b: {  	_ =	swait.ge [sflag:s8], $0x1000  }
0x3c: {  	[sflag:s8] =	ssyncset.done $0x0  }
0x3d: {  	s15 =	rddreg [dreg:$0x7];
	[sflag:s8] =	ssyncadd.s32 $0xFFFFF000  }
0x3e: {  	[spmem:s15] =	stream.linear.scatter [tilespmem:s7], [sflag:$0x2], $0x1000, $0x38;
	[tilespmem:$0x19100] =	vst v63  }
0x3f: {  	_ =	swait.ge [sflag:s8], $0x1000  }
0x40: {  	[sflag:s8] =	ssyncset.done $0x0  }
0x41: {  	s16 =	rddreg [dreg:$0x8];
	[sflag:s8] =	ssyncadd.s32 $0xFFFFF000  }
0x42: {  	[spmem:s16] =	stream.linear.scatter [tilespmem:s7], [sflag:$0x2], $0x1000, $0x38;
	[tilespmem:$0x19100] =	vst v63  }
0x43: {  	_ =	swait.ge [sflag:s8], $0x1000  }
0x44: {  	[sflag:s8] =	ssyncset.done $0x0  }
0x45: {  	s17 =	rddreg [dreg:$0x9];
	[sflag:s8] =	ssyncadd.s32 $0xFFFFF000  }
0x46: {  	[spmem:s17] =	stream.linear.scatter [tilespmem:s7], [sflag:$0x2], $0x1000, $0x38;
	[tilespmem:$0x19100] =	vst v63  }
0x47: {  	_ =	swait.ge [sflag:s8], $0x1000  }
0x48: {  	[sflag:s8] =	ssyncset.done $0x0  }
0x49: {  	s13 =	rddreg [dreg:$0xa];
	[sflag:s8] =	ssyncadd.s32 $0xFFFFF000  }
0x4a: {  	[spmem:s13] =	stream.linear.scatter [tilespmem:s7], [sflag:$0x2], $0x1000, $0x38;
	[tilespmem:$0x19100] =	vst v63  }
0x4b: {  	_ =	swait.ge [sflag:s8], $0x1000  }
0x4c: {  	[sflag:s8] =	ssyncset.done $0x0  }
0x4d: {  	s15 =	rddreg [dreg:$0xb];
	[sflag:s8] =	ssyncadd.s32 $0xFFFFF000  }
0x4e: {  	[spmem:s15] =	stream.linear.scatter [tilespmem:s7], [sflag:$0x2], $0x1000, $0x38;
	[tilespmem:$0x19100] =	vst v63  }
0x4f: {  	_ =	swait.ge [sflag:s8], $0x1000  }
0x50: {  	[sflag:s8] =	ssyncset.done $0x0  }
0x51: {  	s16 =	rddreg [dreg:$0xc];
	[sflag:s8] =	ssyncadd.s32 $0xFFFFF000  }
0x52: {  	[spmem:s16] =	stream.linear.scatter [tilespmem:s7], [sflag:$0x2], $0x1000, $0x38;
	[tilespmem:$0x19100] =	vst v63  }
0x53: {  	_ =	swait.ge [sflag:s8], $0x1000  }
0x54: {  	[sflag:s8] =	ssyncset.done $0x0  }
0x55: {  	s17 =	rddreg [dreg:$0xd];
	[sflag:s8] =	ssyncadd.s32 $0xFFFFF000  }
0x56: {  	[spmem:s17] =	stream.linear.scatter [tilespmem:s7], [sflag:$0x2], $0x1000, $0x38;
	[tilespmem:$0x19100] =	vst v63  }
0x57: {  	_ =	swait.ge [sflag:s8], $0x1000  }
0x58: {  	[sflag:s8] =	ssyncset.done $0x0  }
0x59: {  	[sflag:s8] =	ssyncadd.s32 $0xFFFFF000  }
0x5a: {  	[spmem:s18] =	stream.linear.scatter [tilespmem:s7], [sflag:$0x2], $0x1000, $0x38;
	[tilespmem:$0x19100] =	vst v63  }
0x5b: {  	_ =	swait.ge [sflag:s8], $0x1000  }
0x5c: {  	[sflag:s8] =	ssyncset.done $0x0  }
0x5d: {  	[sflag:s8] =	ssyncadd.s32 $0xFFFFF000  }
0x5e: {  	[spmem:s19] =	stream.linear.scatter [tilespmem:s7], [sflag:$0x2], $0x1000, $0x38;
	[tilespmem:$0x19100] =	vst v63  }
0x5f: {  	_ =	swait.ge [sflag:s8], $0x1000  }
0x60: {  	[sflag:s8] =	ssyncset.done $0x0  }
0x61: {  	[sflag:s8] =	ssyncadd.s32 $0xFFFFF000  }
0x62: {  	[spmem:s26] =	stream.linear.scatter [tilespmem:s7], [sflag:$0x2], $0x1000, $0x38;
	[tilespmem:$0x19100] =	vst v63  }
0x63: {  	_ =	swait.ge [sflag:s8], $0x1000  }
0x64: {  	[sflag:s8] =	ssyncset.done $0x0  }
0x65: {  	[sflag:s8] =	ssyncadd.s32 $0xFFFFF000  }
0x66: {  	[spmem:s28] =	stream.linear.scatter [tilespmem:s7], [sflag:$0x2], $0x1000, $0x38;
	[tilespmem:$0x19100] =	vst v63  }
0x67: {  	_ =	swait.ge [sflag:s8], $0x1000  }
0x68: {  	[sflag:s8] =	ssyncset.done $0x0  }
0x69: {  	[sflag:s8] =	ssyncadd.s32 $0xFFFFF000  }
0x6a: {  	[spmem:s29] =	stream.linear.scatter [tilespmem:s7], [sflag:$0x2], $0x1000, $0x38;
	[tilespmem:$0x19100] =	vst v63  }
0x6b: {  	_ =	swait.ge [sflag:s8], $0x1000  }
0x6c: {  	[sflag:s8] =	ssyncset.done $0x0  }
0x6d: {  	[sflag:s8] =	ssyncadd.s32 $0xFFFFF000  }
0x6e: {  	[spmem:s30] =	stream.linear.scatter [tilespmem:s7], [sflag:$0x2], $0x1000, $0x38;
	[tilespmem:$0x19100] =	vst v63  }
0x6f: {  	_ =	swait.ge [sflag:s8], $0x1000  }
0x70: {  	[sflag:s8] =	ssyncset.done $0x0  }
0x71: {  	[sflag:s8] =	ssyncadd.s32 $0xFFFFF000  }
0x72: {  	[spmem:s31] =	stream.linear.scatter [tilespmem:s7], [sflag:$0x2], $0x1000, $0x38;
	[tilespmem:$0x19100] =	vst v63  }
0x73: {  	_ =	swait.ge [sflag:s8], $0x1000  }
0x74: {  	[sflag:s8] =	ssyncset.done $0x0  }
0x75: {  	[sflag:s8] =	ssyncadd.s32 $0xFFFFF000  }
0x76: {  	[spmem:s0] =	stream.linear.scatter [tilespmem:s7], [sflag:$0x2], $0x1000, $0x38;
	[tilespmem:$0x19100] =	vst v63  }
0x77: {  	_ =	swait.ge [sflag:s8], $0x1000  }
0x78: {  	[sflag:s8] =	ssyncset.done $0x0  }
0x79: {  	[sflag:s8] =	ssyncadd.s32 $0xFFFFF000  }
0x7a: {  	[spmem:s1] =	stream.linear.scatter [tilespmem:s7], [sflag:$0x2], $0x1000, $0x38;
	[tilespmem:$0x19100] =	vst v63  }
.Ltmp3:
0x7b: {  	_ =	swait.ge [sflag:s8], $0x1000;
	(pc) =	sbr.rel @!p0 .LBB2_4-.Ltmp3, $3  }
0x7c: {  	[sflag:s8] =	ssyncset.done $0x0  }
0x7d: {  	[sflag:s8] =	ssyncadd.s32 $0xFFFFF000  }
0x7e: {  	[bflag:$0x0] =	sbarrier.arrive $0xFFFF;
	_ =	sdelay $0x1  }
0x7f: {  	s6 =	sadd.s32 $0x0, s24  }
0x80: {  	[tilespmem:s3], [sflag:$0x2] =	stream.linear.gather [hbm4b:s6+s3], $0x80, $0x38;
	[tilespmem:$0x19100] =	vst v63  }
0x81: {  	_ =	swait.ge [sflag:s8], $0x80  }
0x82: {  	[sflag:s8] =	ssyncset.done $0x0  }
0x83: {  	s17 =	sadd.s32 $0x0, s23;
	[sflag:s8] =	ssyncadd.s32 $0xFFFFFF80  }
0x84: {  	[tilespmem:s9], [sflag:$0x2] =	stream.linear.gather [hbm4b:s17+s3], $0x80, $0x38;
	[tilespmem:$0x19100] =	vst v63  }
0x85: {  	_ =	swait.ge [sflag:s8], $0x80  }
0x86: {  	[sflag:s8] =	ssyncset.done $0x0  }
0x87: {  	[sflag:s8] =	ssyncadd.s32 $0xFFFFFF80  }
0x88: {  	[tilespmem:s10], [sflag:$0x1] =	stream.indirect.gather [hbm4b:s5+s9], $0x80, s3, s9, $0xb8;
	[tilespmem:$0x19100] =	vst v63  }
0x89: {  	_ =	swait.ge [sflag:s11], $0x4000  }
0x8a: {  	[sflag:s11] =	ssyncset.done $0x0  }
0x8b: {  	[sflag:s11] =	ssyncadd.s32 $0xFFFFC000  }
0x8c: {  	[spmem:s2] =	stream.indirect.scatter.add.f32 [tilespmem:s10], [sflag:$0x2], $0x80, s9, s9, $0xb8;
	[tilespmem:$0x19100] =	vst v63  }
0x8d: {  	_ =	swait.ge [sflag:s8], $0x4000  }
0x8e: {  	s13 =	simm.s32 $0x10;
	s6 =	simm.s32 $0x20;
	[sflag:s8] =	ssyncset.done $0x0  }
.LBB2_10:
0x8f: {  	s15 =	sadd.s32 s13, s24  }
0x90: {  	[sflag:s8] =	ssyncadd.s32 $0xFFFFC000;
	s16 =	smov.u32 s6;
	s17 =	sadd.s32 $0x10, s6  }
0x91: {  	[tilespmem:s3], [sflag:$0x2] =	stream.linear.gather [hbm4b:s15+s3], $0x80, $0x38;
	[tilespmem:$0x19100] =	vst v63  }
0x92: {  	p1 =	sne.s32 s6, $0x9F0;
	_ =	swait.ge [sflag:s8], $0x80  }
0x93: {  	[sflag:s8] =	ssyncset.done $0x0  }
0x94: {  	s6 =	sadd.s32 s13, s23;
	s13 =	smov.u32 s16;
	[sflag:s8] =	ssyncadd.s32 $0xFFFFFF80  }
0x95: {  	[tilespmem:s9], [sflag:$0x2] =	stream.linear.gather [hbm4b:s6+s3], $0x80, $0x38;
	[tilespmem:$0x19100] =	vst v63  }
0x96: {  	_ =	swait.ge [sflag:s8], $0x80  }
0x97: {  	[sflag:s8] =	ssyncset.done $0x0  }
0x98: {  	[sflag:s8] =	ssyncadd.s32 $0xFFFFFF80  }
0x99: {  	[tilespmem:s10], [sflag:$0x1] =	stream.indirect.gather [hbm4b:s5+s9], $0x80, s3, s9, $0xb8;
	[tilespmem:$0x19100] =	vst v63  }
0x9a: {  	_ =	swait.ge [sflag:s11], $0x4000  }
.Ltmp4:
0x9b: {  	[sflag:s11] =	ssyncset.done $0x0;
	(pc) =	sbr.rel @p1 .LBB2_10-.Ltmp4, $4  }
0x9c: {  	[sflag:s11] =	ssyncadd.s32 $0xFFFFC000  }
0x9d: {  	[spmem:s2] =	stream.indirect.scatter.add.f32 [tilespmem:s10], [sflag:$0x2], $0x80, s9, s9, $0xb8;
	[tilespmem:$0x19100] =	vst v63  }
0x9e: {  	_ =	swait.ge [sflag:s8], $0x4000  }
0x9f: {  	s6 =	smov.u32 s17;
	[sflag:s8] =	ssyncset.done $0x0  }
0xa0: {  	s6 =	sadd.s32 s13, s24;
	[sflag:s8] =	ssyncadd.s32 $0xFFFFC000  }
0xa1: {  	[tilespmem:s3], [sflag:$0x2] =	stream.linear.gather [hbm4b:s6+s3], $0x80, $0x38;
	[tilespmem:$0x19100] =	vst v63  }
0xa2: {  	_ =	swait.ge [sflag:s8], $0x80  }
0xa3: {  	[sflag:s8] =	ssyncset.done $0x0  }
0xa4: {  	s16 =	sadd.s32 s13, s23;
	[sflag:s8] =	ssyncadd.s32 $0xFFFFFF80  }
0xa5: {  	[tilespmem:s9], [sflag:$0x2] =	stream.linear.gather [hbm4b:s16+s3], $0x80, $0x38;
	[tilespmem:$0x19100] =	vst v63  }
0xa6: {  	_ =	swait.ge [sflag:s8], $0x80  }
0xa7: {  	[sflag:s8] =	ssyncset.done $0x0  }
0xa8: {  	[sflag:s8] =	ssyncadd.s32 $0xFFFFFF80  }
0xa9: {  	[tilespmem:s10], [sflag:$0x1] =	stream.indirect.gather [hbm4b:s5+s9], $0x80, s3, s9, $0xb8;
	[tilespmem:$0x19100] =	vst v63  }
0xaa: {  	_ =	swait.ge [sflag:s11], $0x4000  }
0xab: {  	[sflag:s11] =	ssyncset.done $0x0  }
0xac: {  	[sflag:s11] =	ssyncadd.s32 $0xFFFFC000  }
0xad: {  	[spmem:s2] =	stream.indirect.scatter.add.f32 [tilespmem:s10], [sflag:$0x2], $0x80, s9, s9, $0xb8;
	[tilespmem:$0x19100] =	vst v63  }
0xae: {  	_ =	swait.ge [sflag:s8], $0x4000  }
0xaf: {  	[sflag:s8] =	ssyncset.done $0x0  }
0xb0: {  	[sflag:s8] =	ssyncadd.s32 $0xFFFFC000  }
0xb1: {  	[bflag:$0x0] =	sbarrier.arrive $0xFFFF  }
0xb2: {  	[tilespmem:s7], [sflag:$0x2] =	stream.linear.gather [spmem:s14], $0x1000, $0x38;
	[tilespmem:$0x19100] =	vst v63  }
0xb3: {  	_ =	swait.ge [sflag:s8], $0x1000  }
0xb4: {  	[sflag:s8] =	ssyncset.done $0x0  }
0xb5: {  	s17 =	sadd.s32 $0x0, s25;
	[sflag:s8] =	ssyncadd.s32 $0xFFFFF000  }
0xb6: {  	[hbm4b:s17+s3] =	stream.linear.scatter [tilespmem:s7], [sflag:$0x2], $0x1000, $0x38;
	[tilespmem:$0x19100] =	vst v63  }
0xb7: {  	_ =	swait.ge [sflag:s8], $0x1000  }
0xb8: {  	s13 =	simm.s32 $0x200;
	s6 =	smov.u32 s14;
	[sflag:s8] =	ssyncset.done $0x0  }
.LBB2_12:
0xb9: {  	p1 =	sne.s32 s13, $0x2600;
	[sflag:s8] =	ssyncadd.s32 $0xFFFFF000;
	s6 =	sadd.s32 $0x1000, s6  }
0xba: {  	[tilespmem:s7], [sflag:$0x2] =	stream.linear.gather [spmem:s6], $0x1000, $0x38;
	[tilespmem:$0x19100] =	vst v63  }
0xbb: {  	s15 =	smov.u32 s13;
	s13 =	sadd.s32 $0x200, s13;
	_ =	swait.ge [sflag:s8], $0x1000  }
.Ltmp5:
0xbc: {  	[sflag:s8] =	ssyncset.done $0x0;
	(pc) =	sbr.rel @p1 .LBB2_12-.Ltmp5, $4  }
0xbd: {  	s15 =	sadd.s32 s15, s25;
	[sflag:s8] =	ssyncadd.s32 $0xFFFFF000  }
0xbe: {  	[hbm4b:s15+s3] =	stream.linear.scatter [tilespmem:s7], [sflag:$0x2], $0x1000, $0x38;
	[tilespmem:$0x19100] =	vst v63  }
0xbf: {  	_ =	swait.ge [sflag:s8], $0x1000  }
0xc0: {  	[sflag:s8] =	ssyncset.done $0x0  }
.Ltmp6:
0xc1: {  	(pc) =	sbr.rel .LBB2_14-.Ltmp6, $2  }
0xc2: {  	_ =	sdelay $0x2  }
0xc3: {  	[sflag:s8] =	ssyncadd.s32 $0xFFFFF000  }
.LBB2_4:
0xc4: {  	s6 =	sadd.s32 $0x0, s21  }
0xc5: {  	[tilespmem:s3], [sflag:$0x2] =	stream.linear.gather [hbm4b:s6+s3], $0x80, $0x38;
	[tilespmem:$0x19100] =	vst v63  }
0xc6: {  	_ =	swait.ge [sflag:s8], $0x80  }
0xc7: {  	[sflag:s8] =	ssyncset.done $0x0  }
0xc8: {  	s17 =	sadd.s32 $0x0, s20;
	[sflag:s8] =	ssyncadd.s32 $0xFFFFFF80  }
0xc9: {  	[tilespmem:s9], [sflag:$0x2] =	stream.linear.gather [hbm4b:s17+s3], $0x80, $0x38;
	[tilespmem:$0x19100] =	vst v63  }
0xca: {  	_ =	swait.ge [sflag:s8], $0x80  }
0xcb: {  	[sflag:s8] =	ssyncset.done $0x0  }
0xcc: {  	[sflag:s8] =	ssyncadd.s32 $0xFFFFFF80  }
0xcd: {  	[tilespmem:s10], [sflag:$0x1] =	stream.indirect.gather [hbm4b:s4+s9], $0x80, s3, s9, $0xb8;
	[tilespmem:$0x19100] =	vst v63  }
0xce: {  	_ =	swait.ge [sflag:s11], $0x4000  }
0xcf: {  	[sflag:s11] =	ssyncset.done $0x0  }
0xd0: {  	[sflag:s11] =	ssyncadd.s32 $0xFFFFC000  }
0xd1: {  	[spmem:s2] =	stream.indirect.scatter.add.f32 [tilespmem:s10], [sflag:$0x2], $0x80, s9, s9, $0xb8;
	[tilespmem:$0x19100] =	vst v63  }
0xd2: {  	_ =	swait.ge [sflag:s8], $0x4000  }
0xd3: {  	s13 =	simm.s32 $0x10;
	s6 =	simm.s32 $0x20;
	[sflag:s8] =	ssyncset.done $0x0  }
.LBB2_5:
0xd4: {  	s15 =	sadd.s32 s13, s21  }
0xd5: {  	[sflag:s8] =	ssyncadd.s32 $0xFFFFC000;
	s16 =	smov.u32 s6;
	s17 =	sadd.s32 $0x10, s6  }
0xd6: {  	[tilespmem:s3], [sflag:$0x2] =	stream.linear.gather [hbm4b:s15+s3], $0x80, $0x38;
	[tilespmem:$0x19100] =	vst v63  }
0xd7: {  	p1 =	sne.s32 s6, $0x9F0;
	_ =	swait.ge [sflag:s8], $0x80  }
0xd8: {  	[sflag:s8] =	ssyncset.done $0x0  }
0xd9: {  	s6 =	sadd.s32 s13, s20;
	s13 =	smov.u32 s16;
	[sflag:s8] =	ssyncadd.s32 $0xFFFFFF80  }
0xda: {  	[tilespmem:s9], [sflag:$0x2] =	stream.linear.gather [hbm4b:s6+s3], $0x80, $0x38;
	[tilespmem:$0x19100] =	vst v63  }
0xdb: {  	_ =	swait.ge [sflag:s8], $0x80  }
0xdc: {  	[sflag:s8] =	ssyncset.done $0x0  }
0xdd: {  	[sflag:s8] =	ssyncadd.s32 $0xFFFFFF80  }
0xde: {  	[tilespmem:s10], [sflag:$0x1] =	stream.indirect.gather [hbm4b:s4+s9], $0x80, s3, s9, $0xb8;
	[tilespmem:$0x19100] =	vst v63  }
0xdf: {  	_ =	swait.ge [sflag:s11], $0x4000  }
.Ltmp7:
0xe0: {  	[sflag:s11] =	ssyncset.done $0x0;
	(pc) =	sbr.rel @p1 .LBB2_5-.Ltmp7, $4  }
0xe1: {  	[sflag:s11] =	ssyncadd.s32 $0xFFFFC000  }
0xe2: {  	[spmem:s2] =	stream.indirect.scatter.add.f32 [tilespmem:s10], [sflag:$0x2], $0x80, s9, s9, $0xb8;
	[tilespmem:$0x19100] =	vst v63  }
0xe3: {  	_ =	swait.ge [sflag:s8], $0x4000  }
0xe4: {  	s6 =	smov.u32 s17;
	[sflag:s8] =	ssyncset.done $0x0  }
0xe5: {  	s6 =	sadd.s32 s13, s21;
	[sflag:s8] =	ssyncadd.s32 $0xFFFFC000  }
0xe6: {  	[tilespmem:s3], [sflag:$0x2] =	stream.linear.gather [hbm4b:s6+s3], $0x80, $0x38;
	[tilespmem:$0x19100] =	vst v63  }
0xe7: {  	_ =	swait.ge [sflag:s8], $0x80  }
0xe8: {  	[sflag:s8] =	ssyncset.done $0x0  }
0xe9: {  	s16 =	sadd.s32 s13, s20;
	[sflag:s8] =	ssyncadd.s32 $0xFFFFFF80  }
0xea: {  	[tilespmem:s9], [sflag:$0x2] =	stream.linear.gather [hbm4b:s16+s3], $0x80, $0x38;
	[tilespmem:$0x19100] =	vst v63  }
0xeb: {  	_ =	swait.ge [sflag:s8], $0x80  }
0xec: {  	[sflag:s8] =	ssyncset.done $0x0  }
0xed: {  	[sflag:s8] =	ssyncadd.s32 $0xFFFFFF80  }
0xee: {  	[tilespmem:s10], [sflag:$0x1] =	stream.indirect.gather [hbm4b:s4+s9], $0x80, s3, s9, $0xb8;
	[tilespmem:$0x19100] =	vst v63  }
0xef: {  	_ =	swait.ge [sflag:s11], $0x4000  }
0xf0: {  	[sflag:s11] =	ssyncset.done $0x0  }
0xf1: {  	[sflag:s11] =	ssyncadd.s32 $0xFFFFC000  }
0xf2: {  	[spmem:s2] =	stream.indirect.scatter.add.f32 [tilespmem:s10], [sflag:$0x2], $0x80, s9, s9, $0xb8;
	[tilespmem:$0x19100] =	vst v63  }
0xf3: {  	_ =	swait.ge [sflag:s8], $0x4000  }
0xf4: {  	[sflag:s8] =	ssyncset.done $0x0  }
0xf5: {  	[sflag:s8] =	ssyncadd.s32 $0xFFFFC000  }
0xf6: {  	[bflag:$0x0] =	sbarrier.arrive $0xFFFF  }
0xf7: {  	[tilespmem:s7], [sflag:$0x2] =	stream.linear.gather [spmem:s14], $0x1000, $0x38;
	[tilespmem:$0x19100] =	vst v63  }
0xf8: {  	_ =	swait.ge [sflag:s8], $0x1000  }
0xf9: {  	[sflag:s8] =	ssyncset.done $0x0  }
0xfa: {  	s17 =	sadd.s32 $0x0, s22;
	[sflag:s8] =	ssyncadd.s32 $0xFFFFF000  }
0xfb: {  	[hbm4b:s17+s3] =	stream.linear.scatter [tilespmem:s7], [sflag:$0x2], $0x1000, $0x38;
	[tilespmem:$0x19100] =	vst v63  }
0xfc: {  	_ =	swait.ge [sflag:s8], $0x1000  }
0xfd: {  	s13 =	simm.s32 $0x200;
	s6 =	smov.u32 s14;
	[sflag:s8] =	ssyncset.done $0x0  }
.LBB2_7:
0xfe: {  	p1 =	seq.s32 s13, $0x2600;
	[sflag:s8] =	ssyncadd.s32 $0xFFFFF000;
	s6 =	sadd.s32 $0x1000, s6  }
0xff: {  	[tilespmem:s7], [sflag:$0x2] =	stream.linear.gather [spmem:s6], $0x1000, $0x38;
	[tilespmem:$0x19100] =	vst v63  }
0x100: {  	s15 =	smov.u32 s13;
	s13 =	sadd.s32 $0x200, s13;
	_ =	swait.ge [sflag:s8], $0x1000  }
.Ltmp8:
0x101: {  	[sflag:s8] =	ssyncset.done $0x0;
	(pc) =	sbr.rel @!p1 .LBB2_7-.Ltmp8, $4  }
0x102: {  	s15 =	sadd.s32 s15, s22;
	[sflag:s8] =	ssyncadd.s32 $0xFFFFF000  }
0x103: {  	[hbm4b:s15+s3] =	stream.linear.scatter [tilespmem:s7], [sflag:$0x2], $0x1000, $0x38;
	[tilespmem:$0x19100] =	vst v63  }
0x104: {  	_ =	swait.ge [sflag:s8], $0x1000  }
0x105: {  	[sflag:s8] =	ssyncset.done $0x0  }
.Ltmp9:
0x106: {  	_ = 	snop;
	(pc) =	sbr.rel .LBB2_8-.Ltmp9, $1  }
0x107: {  	_ =	sdelay $0x3  }
.LBB2_15:
0x108: {  	_ =	sfence.sel $0x180000  }
0x109: {  	[bflag:$0x0] =	sbarrier.arrive $0xFFFF  }
0x10a: {  	_ =	strace $0x90000047  }
0x10b: {  	s0 =	stileid.u32;
	[bflag:$0x2] =	sbarrier.arrive $0xFFFF  }
0x10c: {  	p0 =	sne.s32 s0, $0x0;
	s0 =	rddreg [dreg:$0x2]  }
0x10d: {  	s0 =	sadd.s32 @!p0 $0x100000, s0  }
0x10e: {  	[sflag:s0] =	ssyncadd.tile.s32 @!p0 $0x1;
	_ =	shalt  }
.Lfunc_end2:
_tile_overlayer_lowered:
.L_overlay_start_2:
0x10f: {  	(tag) =	ssettag $0x2  }
0x110: {  	s0 =	rddreg [dreg:$0x0];
	s2 =	stileid.u32  }
0x111: {  	s1 =	rddreg [dreg:$0x1];
	p0 =	sne.s32 s2, $0x0  }
0x112: {  	s3 =	rddreg [dreg:$0x2];
	[bflag:$0x3] =	sbarrier.arrive $0xFFFF;
	s2 =	simm.s32 @!p0 $0x1C02  }
0x113: {  	[timem:s3], [sflag:s2] =	dma.local @!p0 [hbm:s0], s1  }
0x114: {  	s0 =	simm.s32 @!p0 $0x2  }
0x115: {  	_ =	swait.ge @!p0 [sflag:s0], s1  }
0x116: {  	s1 =	ssub.s32 @!p0 $0x0, s1;
	[sflag:s0] =	ssyncset.done @!p0 $0x0  }
0x117: {  	[sflag:s0] =	ssyncadd.s32 @!p0 s1  }
0x118: {  	[bflag:$0x3] =	sbarrier.arrive $0xFFFF  }
0x119: {  	_ =	shalt  }

</sc_bundles>
